<compile_context>
chip_gen: v7x
topology: tpu7x:2x2x1
jax: 0.10.2.dev20260603
libtpu: 0.0.44.dev20260713+nightly
codegen_flags: <defaults>
</compile_context>

<pallas_src>
import dataclasses
import functools

import jax
import jax.numpy as jnp
from jax import lax
from jax.experimental import pallas as pl
from jax.experimental.pallas import tpu as pltpu
from jax.experimental.pallas import tpu_sc as plsc

_L = 16
_NW = 32

_GATHER_DNUMS = lax.GatherDimensionNumbers(
    offset_dims=(), collapsed_slice_dims=(0,), start_index_map=(0,)
)


def _bcast_lane(vec, c):
    return lax.gather(
        vec,
        jnp.full((_L, 1), c, jnp.int32),
        _GATHER_DNUMS,
        slice_sizes=(1,),
        mode=lax.GatherScatterMode.PROMISE_IN_BOUNDS,
    )


def _pooled_embed(chars, table_flat_i32, B, W, C, D, V):
    DW = D // 2
    NG = DW // _L
    b_per_w = B // _NW
    CB = next(d for d in (4, 5, 2, 1) if b_per_w % d == 0)
    n_chunks = b_per_w // CB
    mesh = plsc.VectorSubcoreMesh(core_axis_name="c", subcore_axis_name="s")
    cp = pltpu.CompilerParams()
    fields = pltpu.CompilerParams.__dataclass_fields__
    if "needs_layout_passes" in fields:
        cp = dataclasses.replace(cp, needs_layout_passes=False)
    if "use_tc_tiling_on_sc" in fields:
        cp = dataclasses.replace(cp, use_tc_tiling_on_sc=False)

    @functools.partial(
        pl.kernel,
        mesh=mesh,
        compiler_params=cp,
        out_type=jax.ShapeDtypeStruct((B, W, D), jnp.float32),
        scratch_types=[
            pltpu.VMEM((V * DW,), jnp.int32),
            pltpu.VMEM((CB, W, C), jnp.int32),
            pltpu.VMEM((CB, W, D), jnp.float32),
        ],
    )
    def k(chars_hbm, table_hbm, out_hbm, table_v, idx_v, out_v):
        wid = lax.axis_index("s") * 2 + lax.axis_index("c")
        base_b = wid * b_per_w
        pltpu.sync_copy(table_hbm, table_v)
        high_mask = jnp.full((_L,), -65536, jnp.int32)
        lane = lax.iota(jnp.int32, _L)
        views = [table_v.at[pl.ds(g * _L, V * DW - g * _L)] for g in range(NG)]

        @pl.loop(0, n_chunks)
        def _(chunk):
            b0 = base_b + chunk * CB
            pltpu.sync_copy(chars_hbm.at[pl.ds(b0, CB)], idx_v)

            @pl.loop(0, CB)
            def _(bb):
                @plsc.parallel_loop(0, W, unroll=2)
                def _(ww):
                    idxs = idx_v[bb, ww, pl.ds(0, C)]
                    offs = idxs << 5
                    accs = None
                    for c in range(C):
                        addr = _bcast_lane(offs, c) + lane
                        rows = [
                            plsc.bitcast(
                                plsc.load_gather(views[g], [addr]), jnp.bfloat16
                            )
                            for g in range(NG)
                        ]
                        if accs is None:
                            accs = rows
                        else:
                            accs = [jnp.maximum(a, r) for a, r in zip(accs, rows)]
                    for g in range(NG):
                        acc_i = plsc.bitcast(accs[g], jnp.int32)
                        lo = plsc.bitcast(acc_i << 16, jnp.float32)
                        hi = plsc.bitcast(acc_i & high_mask, jnp.float32)
                        out_v[bb, ww, pl.ds(2 * g * _L, _L)] = lo
                        out_v[bb, ww, pl.ds((2 * g + 1) * _L, _L)] = hi

            pltpu.sync_copy(out_v, out_hbm.at[pl.ds(b0, CB)])

    return k(chars, table_flat_i32)


def kernel(words, chars, embed_weight):
    B, W, C = chars.shape
    V, D = embed_weight.shape
    tb = embed_weight.astype(jnp.bfloat16).reshape(V, D // 32, 2, 16)
    tb = tb.transpose(0, 1, 3, 2).reshape(V, D // 2, 2)
    table_i32 = jax.lax.bitcast_convert_type(tb, jnp.int32).reshape(V * (D // 2))
    parts = [5 * B // 16, 11 * B // 16]
    chars_i = chars.astype(jnp.int32)
    outs = []
    b0 = 0
    for p in parts:
        outs.append(
            _pooled_embed(chars_i[b0:b0 + p], table_i32, p, W, C, D, V)
        )
        b0 += p
    return jnp.concatenate(outs, axis=0)

# --- scband reference (transcript-rebuilt; emitter-appended) ---
"""Pipeline reference for scband-pooling-char-embeddor-55439437857438 (READ-ONLY COPY).

The authoritative reference and input builder live on the scoring server;
editing this copy changes nothing except your own understanding.
"""

import jax, jax.numpy as jnp
import numpy as np

CHAR_VOCAB = 100
EMBED_DIM = 64
B, W, C = 1024, 50, 16


def setup_inputs(seed: int = 0) -> dict:
    key = jax.random.key(seed)
    k1, k2, k3 = jax.random.split(key, 3)
    words = jax.random.randint(k1, (B, W), 0, CHAR_VOCAB + 1, dtype=jnp.int64 if jax.config.jax_enable_x64 else jnp.int32)
    chars = jax.random.randint(k2, (B, W, C), 0, CHAR_VOCAB + 1, dtype=jnp.int64 if jax.config.jax_enable_x64 else jnp.int32)
    # nn.Embedding weight: (char_vocab_size + 1, embedding_dim), padding_idx=0 row is zeros
    embed_weight = jax.random.normal(k3, (CHAR_VOCAB + 1, EMBED_DIM), dtype=jnp.float32)
    embed_weight = embed_weight.at[0].set(0.0)
    return {"words": words, "chars": chars, "embed_weight": embed_weight}


def reference(words, chars, embed_weight):
    # embeddings = self.embed(chars) -> gather rows of table
    embeddings = jnp.take(embed_weight, chars, axis=0)  # (B, W, C, D)
    # pooled, _ = embeddings.max(2)
    pooled = jnp.max(embeddings, axis=2)  # (B, W, D)
    return pooled

if __name__ == "__main__":
    import jax
    _d = setup_inputs()
    print(jax.jit(kernel)(*tuple(_d.values())))

</pallas_src>

<mosaic_0001>
#map = affine_map<(d0, d1) -> (0, 0, 0)>
#map1 = affine_map<(d0, d1) -> (0)>
module attributes {stable_mosaic.version = 14 : i64} {
  func.func @k(%arg0: i32, %arg1: i32, %arg2: memref<704x50x16xi32, #tpu.memory_space<hbm>>, %arg3: memref<3232xi32, #tpu.memory_space<hbm>>, %arg4: memref<704x50x64xf32, #tpu.memory_space<hbm>>, %arg5: memref<3232xi32, #tpu.memory_space<vmem>>, %arg6: memref<2x50x16xi32, #tpu.memory_space<vmem>>, %arg7: memref<2x50x64xf32, #tpu.memory_space<vmem>>) attributes {dimension_semantics = [#tpu.dimension_semantics<core_parallel>, #tpu.dimension_semantics<subcore_parallel>], iteration_bounds = array<i64: 2, 16>, scalar_prefetch = 0 : i64, scratch_operands = 3 : i64, tpu.core_type = #tpu.core_type<sc_vector_subcore>, window_params = [{transform_indices = #map}, {transform_indices = #map1}, {transform_indices = #map}]} {
    %mul3A = arith.constant 2 : i32
    %mul3A_0 = arith.muli %arg1, %mul3A : i32
    %add3A = arith.addi %mul3A_0, %arg0 : i32
    %mul3A_1 = arith.constant 22 : i32
    %mul3A_2 = arith.muli %add3A, %mul3A_1 : i32
    "tpu.region"() ({
      %run_scoped3A = tpu.sem_alloc : memref<!tpu.dma_semaphore, #tpu.memory_space<semaphore_mem>>
      tpu.enqueue_dma source(%arg3 : memref<3232xi32, #tpu.memory_space<hbm>>) target(%arg5 : memref<3232xi32, #tpu.memory_space<vmem>>) target_semaphore(%run_scoped3A : memref<!tpu.dma_semaphore, #tpu.memory_space<semaphore_mem>>)
      tpu.wait_dma2 semaphore(%run_scoped3A : memref<!tpu.dma_semaphore, #tpu.memory_space<semaphore_mem>>) src(%arg3 : memref<3232xi32, #tpu.memory_space<hbm>>) dst(%arg5 : memref<3232xi32, #tpu.memory_space<vmem>>)
      tpu.yield
    }) : () -> ()
    %broadcast_in_dim3A = arith.constant -65536 : i32
    %broadcast_in_dim3A_3 = vector.broadcast %broadcast_in_dim3A : i32 to vector<16xi32>
    %iota3A = tpu.iota {dimensions = array<i32: 0>} : vector<16xi32>
    %scan3A = arith.constant 0 : i32
    %scan3A_4 = arith.constant 11 : i32
    %scan3A_5 = arith.addi %scan3A, %scan3A_4 : i32
    %scan3A_6 = arith.constant 1 : i32
    scf.for %scan3A_8 = %scan3A to %scan3A_5 step %scan3A_6  : i32 {
      %mul3A_9 = arith.constant 1 : i32
      %mul3A_10 = arith.muli %scan3A_8, %mul3A_9 : i32
      %add3A_11 = arith.constant 0 : i32
      %add3A_12 = arith.addi %add3A_11, %mul3A_10 : i32
      %mul3A_13 = arith.constant 2 : i32
      %mul3A_14 = arith.muli %add3A_12, %mul3A_13 : i32
      %add3A_15 = arith.addi %mul3A_2, %mul3A_14 : i32
      "tpu.region"() ({
        %run_scoped3A = tpu.sem_alloc : memref<!tpu.dma_semaphore, #tpu.memory_space<semaphore_mem>>
        %dma_start3A = arith.constant 0 : i32
        %dma_start3A_21 = arith.constant 0 : i32
        %dma_start3A_22 = tpu.memref_slice %arg2[%add3A_15, %dma_start3A, %dma_start3A_21] : memref<704x50x16xi32, #tpu.memory_space<hbm>> -> memref<2x50x16xi32, #tpu.memory_space<hbm>>
        %dma_start3A_23 = arith.constant 0 : i32
        %dma_start3A_24 = arith.constant 0 : i32
        %dma_start3A_25 = tpu.memref_slice %arg2[%add3A_15, %dma_start3A_23, %dma_start3A_24] : memref<704x50x16xi32, #tpu.memory_space<hbm>> -> memref<2x50x16xi32, #tpu.memory_space<hbm>>
        tpu.enqueue_dma source(%dma_start3A_25 : memref<2x50x16xi32, #tpu.memory_space<hbm>>) target(%arg6 : memref<2x50x16xi32, #tpu.memory_space<vmem>>) target_semaphore(%run_scoped3A : memref<!tpu.dma_semaphore, #tpu.memory_space<semaphore_mem>>)
        %dma_wait3A = arith.constant 0 : i32
        %dma_wait3A_26 = arith.constant 0 : i32
        %dma_wait3A_27 = tpu.memref_slice %arg2[%add3A_15, %dma_wait3A, %dma_wait3A_26] : memref<704x50x16xi32, #tpu.memory_space<hbm>> -> memref<2x50x16xi32, #tpu.memory_space<hbm>>
        %dma_wait3A_28 = arith.constant 0 : i32
        %dma_wait3A_29 = arith.constant 0 : i32
        %dma_wait3A_30 = tpu.memref_slice %arg2[%add3A_15, %dma_wait3A_28, %dma_wait3A_29] : memref<704x50x16xi32, #tpu.memory_space<hbm>> -> memref<2x50x16xi32, #tpu.memory_space<hbm>>
        tpu.wait_dma2 semaphore(%run_scoped3A : memref<!tpu.dma_semaphore, #tpu.memory_space<semaphore_mem>>) src(%dma_wait3A_30 : memref<2x50x16xi32, #tpu.memory_space<hbm>>) dst(%arg6 : memref<2x50x16xi32, #tpu.memory_space<vmem>>)
        tpu.yield
      }) : () -> ()
      %scan3A_16 = arith.constant 0 : i32
      %scan3A_17 = arith.constant 2 : i32
      %scan3A_18 = arith.addi %scan3A_16, %scan3A_17 : i32
      %scan3A_19 = arith.constant 1 : i32
      scf.for %scan3A_21 = %scan3A_16 to %scan3A_18 step %scan3A_19  : i32 {
        %mul3A_22 = arith.constant 1 : i32
        %mul3A_23 = arith.muli %scan3A_21, %mul3A_22 : i32
        %add3A_24 = arith.constant 0 : i32
        %add3A_25 = arith.addi %add3A_24, %mul3A_23 : i32
        %parallel_loop3A = arith.constant 0 : i32
        %parallel_loop3A_26 = arith.constant 50 : i32
        %parallel_loop3A_27 = arith.constant 1 : i32
        scf.for %parallel_loop3A_28 = %parallel_loop3A to %parallel_loop3A_26 step %parallel_loop3A_27  : i32 {
          %parallel_loop3A_29 = arith.index_cast %add3A_25 : i32 to index
          %parallel_loop3A_30 = arith.index_cast %parallel_loop3A_28 : i32 to index
          %parallel_loop3A_31 = arith.constant 0 : index
          %parallel_loop3A_32 = tpu.vector_load %arg6[%parallel_loop3A_29, %parallel_loop3A_30, %parallel_loop3A_31] {strides = array<i32>} : memref<2x50x16xi32, #tpu.memory_space<vmem>>, vector<16xi32>,
          %parallel_loop3A_33 = arith.constant 5 : i32
          %parallel_loop3A_34 = vector.broadcast %parallel_loop3A_33 : i32 to vector<16xi32>
          %parallel_loop3A_35 = arith.shli %parallel_loop3A_32, %parallel_loop3A_34 : vector<16xi32>
          %parallel_loop3A_36 = arith.constant 0 : i32
          %parallel_loop3A_37 = vector.broadcast %parallel_loop3A_36 : i32 to vector<16x1xi32>
          %parallel_loop3A_38 = vector.shape_cast %parallel_loop3A_37 : vector<16x1xi32> to vector<16xi32>
          %parallel_loop3A_39 = tpu.dynamic_gather %parallel_loop3A_35[%parallel_loop3A_38] in [0] : vector<16xi32>, vector<16xi32> -> vector<16xi32>
          %parallel_loop3A_40 = arith.addi %parallel_loop3A_39, %iota3A : vector<16xi32>
          %parallel_loop3A_41 = arith.constant 0 : i32
          %parallel_loop3A_42 = tpu.memref_slice %arg5[%parallel_loop3A_41] : memref<3232xi32, #tpu.memory_space<vmem>> -> memref<3232xi32, #tpu.memory_space<vmem>>
          %parallel_loop3A_43 = tpu.vector_load_idx %parallel_loop3A_42[%parallel_loop3A_40] : memref<3232xi32, #tpu.memory_space<vmem>>[vector<16xi32>], vector<16xi32>,
          %parallel_loop3A_44 = vector.bitcast %parallel_loop3A_43 : vector<16xi32> to vector<32xbf16>
          %parallel_loop3A_45 = arith.constant 16 : i32
          %parallel_loop3A_46 = tpu.memref_slice %arg5[%parallel_loop3A_45] : memref<3232xi32, #tpu.memory_space<vmem>> -> memref<3216xi32, #tpu.memory_space<vmem>>
          %parallel_loop3A_47 = tpu.vector_load_idx %parallel_loop3A_46[%parallel_loop3A_40] : memref<3216xi32, #tpu.memory_space<vmem>>[vector<16xi32>], vector<16xi32>,
          %parallel_loop3A_48 = vector.bitcast %parallel_loop3A_47 : vector<16xi32> to vector<32xbf16>
          %parallel_loop3A_49 = arith.constant 1 : i32
          %parallel_loop3A_50 = vector.broadcast %parallel_loop3A_49 : i32 to vector<16x1xi32>
          %parallel_loop3A_51 = vector.shape_cast %parallel_loop3A_50 : vector<16x1xi32> to vector<16xi32>
          %parallel_loop3A_52 = tpu.dynamic_gather %parallel_loop3A_35[%parallel_loop3A_51] in [0] : vector<16xi32>, vector<16xi32> -> vector<16xi32>
          %parallel_loop3A_53 = arith.addi %parallel_loop3A_52, %iota3A : vector<16xi32>
          %parallel_loop3A_54 = arith.constant 0 : i32
          %parallel_loop3A_55 = tpu.memref_slice %arg5[%parallel_loop3A_54] : memref<3232xi32, #tpu.memory_space<vmem>> -> memref<3232xi32, #tpu.memory_space<vmem>>
          %parallel_loop3A_56 = tpu.vector_load_idx %parallel_loop3A_55[%parallel_loop3A_53] : memref<3232xi32, #tpu.memory_space<vmem>>[vector<16xi32>], vector<16xi32>,
          %parallel_loop3A_57 = vector.bitcast %parallel_loop3A_56 : vector<16xi32> to vector<32xbf16>
          %parallel_loop3A_58 = arith.constant 16 : i32
          %parallel_loop3A_59 = tpu.memref_slice %arg5[%parallel_loop3A_58] : memref<3232xi32, #tpu.memory_space<vmem>> -> memref<3216xi32, #tpu.memory_space<vmem>>
          %parallel_loop3A_60 = tpu.vector_load_idx %parallel_loop3A_59[%parallel_loop3A_53] : memref<3216xi32, #tpu.memory_space<vmem>>[vector<16xi32>], vector<16xi32>,
          %parallel_loop3A_61 = vector.bitcast %parallel_loop3A_60 : vector<16xi32> to vector<32xbf16>
          %parallel_loop3A_62 = arith.maximumf %parallel_loop3A_44, %parallel_loop3A_57 : vector<32xbf16>
          %parallel_loop3A_63 = arith.maximumf %parallel_loop3A_48, %parallel_loop3A_61 : vector<32xbf16>
          %parallel_loop3A_64 = arith.constant 2 : i32
          %parallel_loop3A_65 = vector.broadcast %parallel_loop3A_64 : i32 to vector<16x1xi32>
          %parallel_loop3A_66 = vector.shape_cast %parallel_loop3A_65 : vector<16x1xi32> to vector<16xi32>
          %parallel_loop3A_67 = tpu.dynamic_gather %parallel_loop3A_35[%parallel_loop3A_66] in [0] : vector<16xi32>, vector<16xi32> -> vector<16xi32>
          %parallel_loop3A_68 = arith.addi %parallel_loop3A_67, %iota3A : vector<16xi32>
          %parallel_loop3A_69 = arith.constant 0 : i32
          %parallel_loop3A_70 = tpu.memref_slice %arg5[%parallel_loop3A_69] : memref<3232xi32, #tpu.memory_space<vmem>> -> memref<3232xi32, #tpu.memory_space<vmem>>
          %parallel_loop3A_71 = tpu.vector_load_idx %parallel_loop3A_70[%parallel_loop3A_68] : memref<3232xi32, #tpu.memory_space<vmem>>[vector<16xi32>], vector<16xi32>,
          %parallel_loop3A_72 = vector.bitcast %parallel_loop3A_71 : vector<16xi32> to vector<32xbf16>
          %parallel_loop3A_73 = arith.constant 16 : i32
          %parallel_loop3A_74 = tpu.memref_slice %arg5[%parallel_loop3A_73] : memref<3232xi32, #tpu.memory_space<vmem>> -> memref<3216xi32, #tpu.memory_space<vmem>>
          %parallel_loop3A_75 = tpu.vector_load_idx %parallel_loop3A_74[%parallel_loop3A_68] : memref<3216xi32, #tpu.memory_space<vmem>>[vector<16xi32>], vector<16xi32>,
          %parallel_loop3A_76 = vector.bitcast %parallel_loop3A_75 : vector<16xi32> to vector<32xbf16>
          %parallel_loop3A_77 = arith.maximumf %parallel_loop3A_62, %parallel_loop3A_72 : vector<32xbf16>
          %parallel_loop3A_78 = arith.maximumf %parallel_loop3A_63, %parallel_loop3A_76 : vector<32xbf16>
          %parallel_loop3A_79 = arith.constant 3 : i32
          %parallel_loop3A_80 = vector.broadcast %parallel_loop3A_79 : i32 to vector<16x1xi32>
          %parallel_loop3A_81 = vector.shape_cast %parallel_loop3A_80 : vector<16x1xi32> to vector<16xi32>
          %parallel_loop3A_82 = tpu.dynamic_gather %parallel_loop3A_35[%parallel_loop3A_81] in [0] : vector<16xi32>, vector<16xi32> -> vector<16xi32>
          %parallel_loop3A_83 = arith.addi %parallel_loop3A_82, %iota3A : vector<16xi32>
          %parallel_loop3A_84 = arith.constant 0 : i32
          %parallel_loop3A_85 = tpu.memref_slice %arg5[%parallel_loop3A_84] : memref<3232xi32, #tpu.memory_space<vmem>> -> memref<3232xi32, #tpu.memory_space<vmem>>
          %parallel_loop3A_86 = tpu.vector_load_idx %parallel_loop3A_85[%parallel_loop3A_83] : memref<3232xi32, #tpu.memory_space<vmem>>[vector<16xi32>], vector<16xi32>,
          %parallel_loop3A_87 = vector.bitcast %parallel_loop3A_86 : vector<16xi32> to vector<32xbf16>
          %parallel_loop3A_88 = arith.constant 16 : i32
          %parallel_loop3A_89 = tpu.memref_slice %arg5[%parallel_loop3A_88] : memref<3232xi32, #tpu.memory_space<vmem>> -> memref<3216xi32, #tpu.memory_space<vmem>>
          %parallel_loop3A_90 = tpu.vector_load_idx %parallel_loop3A_89[%parallel_loop3A_83] : memref<3216xi32, #tpu.memory_space<vmem>>[vector<16xi32>], vector<16xi32>,
          %parallel_loop3A_91 = vector.bitcast %parallel_loop3A_90 : vector<16xi32> to vector<32xbf16>
          %parallel_loop3A_92 = arith.maximumf %parallel_loop3A_77, %parallel_loop3A_87 : vector<32xbf16>
          %parallel_loop3A_93 = arith.maximumf %parallel_loop3A_78, %parallel_loop3A_91 : vector<32xbf16>
          %parallel_loop3A_94 = arith.constant 4 : i32
          %parallel_loop3A_95 = vector.broadcast %parallel_loop3A_94 : i32 to vector<16x1xi32>
          %parallel_loop3A_96 = vector.shape_cast %parallel_loop3A_95 : vector<16x1xi32> to vector<16xi32>
          %parallel_loop3A_97 = tpu.dynamic_gather %parallel_loop3A_35[%parallel_loop3A_96] in [0] : vector<16xi32>, vector<16xi32> -> vector<16xi32>
          %parallel_loop3A_98 = arith.addi %parallel_loop3A_97, %iota3A : vector<16xi32>
          %parallel_loop3A_99 = arith.constant 0 : i32
          %parallel_loop3A_100 = tpu.memref_slice %arg5[%parallel_loop3A_99] : memref<3232xi32, #tpu.memory_space<vmem>> -> memref<3232xi32, #tpu.memory_space<vmem>>
          %parallel_loop3A_101 = tpu.vector_load_idx %parallel_loop3A_100[%parallel_loop3A_98] : memref<3232xi32, #tpu.memory_space<vmem>>[vector<16xi32>], vector<16xi32>,
          %parallel_loop3A_102 = vector.bitcast %parallel_loop3A_101 : vector<16xi32> to vector<32xbf16>
          %parallel_loop3A_103 = arith.constant 16 : i32
          %parallel_loop3A_104 = tpu.memref_slice %arg5[%parallel_loop3A_103] : memref<3232xi32, #tpu.memory_space<vmem>> -> memref<3216xi32, #tpu.memory_space<vmem>>
          %parallel_loop3A_105 = tpu.vector_load_idx %parallel_loop3A_104[%parallel_loop3A_98] : memref<3216xi32, #tpu.memory_space<vmem>>[vector<16xi32>], vector<16xi32>,
          %parallel_loop3A_106 = vector.bitcast %parallel_loop3A_105 : vector<16xi32> to vector<32xbf16>
          %parallel_loop3A_107 = arith.maximumf %parallel_loop3A_92, %parallel_loop3A_102 : vector<32xbf16>
          %parallel_loop3A_108 = arith.maximumf %parallel_loop3A_93, %parallel_loop3A_106 : vector<32xbf16>
          %parallel_loop3A_109 = arith.constant 5 : i32
          %parallel_loop3A_110 = vector.broadcast %parallel_loop3A_109 : i32 to vector<16x1xi32>
          %parallel_loop3A_111 = vector.shape_cast %parallel_loop3A_110 : vector<16x1xi32> to vector<16xi32>
          %parallel_loop3A_112 = tpu.dynamic_gather %parallel_loop3A_35[%parallel_loop3A_111] in [0] : vector<16xi32>, vector<16xi32> -> vector<16xi32>
          %parallel_loop3A_113 = arith.addi %parallel_loop3A_112, %iota3A : vector<16xi32>
          %parallel_loop3A_114 = arith.constant 0 : i32
          %parallel_loop3A_115 = tpu.memref_slice %arg5[%parallel_loop3A_114] : memref<3232xi32, #tpu.memory_space<vmem>> -> memref<3232xi32, #tpu.memory_space<vmem>>
          %parallel_loop3A_116 = tpu.vector_load_idx %parallel_loop3A_115[%parallel_loop3A_113] : memref<3232xi32, #tpu.memory_space<vmem>>[vector<16xi32>], vector<16xi32>,
          %parallel_loop3A_117 = vector.bitcast %parallel_loop3A_116 : vector<16xi32> to vector<32xbf16>
          %parallel_loop3A_118 = arith.constant 16 : i32
          %parallel_loop3A_119 = tpu.memref_slice %arg5[%parallel_loop3A_118] : memref<3232xi32, #tpu.memory_space<vmem>> -> memref<3216xi32, #tpu.memory_space<vmem>>
          %parallel_loop3A_120 = tpu.vector_load_idx %parallel_loop3A_119[%parallel_loop3A_113] : memref<3216xi32, #tpu.memory_space<vmem>>[vector<16xi32>], vector<16xi32>,
          %parallel_loop3A_121 = vector.bitcast %parallel_loop3A_120 : vector<16xi32> to vector<32xbf16>
          %parallel_loop3A_122 = arith.maximumf %parallel_loop3A_107, %parallel_loop3A_117 : vector<32xbf16>
          %parallel_loop3A_123 = arith.maximumf %parallel_loop3A_108, %parallel_loop3A_121 : vector<32xbf16>
          %parallel_loop3A_124 = arith.constant 6 : i32
          %parallel_loop3A_125 = vector.broadcast %parallel_loop3A_124 : i32 to vector<16x1xi32>
          %parallel_loop3A_126 = vector.shape_cast %parallel_loop3A_125 : vector<16x1xi32> to vector<16xi32>
          %parallel_loop3A_127 = tpu.dynamic_gather %parallel_loop3A_35[%parallel_loop3A_126] in [0] : vector<16xi32>, vector<16xi32> -> vector<16xi32>
          %parallel_loop3A_128 = arith.addi %parallel_loop3A_127, %iota3A : vector<16xi32>
          %parallel_loop3A_129 = arith.constant 0 : i32
          %parallel_loop3A_130 = tpu.memref_slice %arg5[%parallel_loop3A_129] : memref<3232xi32, #tpu.memory_space<vmem>> -> memref<3232xi32, #tpu.memory_space<vmem>>
          %parallel_loop3A_131 = tpu.vector_load_idx %parallel_loop3A_130[%parallel_loop3A_128] : memref<3232xi32, #tpu.memory_space<vmem>>[vector<16xi32>], vector<16xi32>,
          %parallel_loop3A_132 = vector.bitcast %parallel_loop3A_131 : vector<16xi32> to vector<32xbf16>
          %parallel_loop3A_133 = arith.constant 16 : i32
          %parallel_loop3A_134 = tpu.memref_slice %arg5[%parallel_loop3A_133] : memref<3232xi32, #tpu.memory_space<vmem>> -> memref<3216xi32, #tpu.memory_space<vmem>>
          %parallel_loop3A_135 = tpu.vector_load_idx %parallel_loop3A_134[%parallel_loop3A_128] : memref<3216xi32, #tpu.memory_space<vmem>>[vector<16xi32>], vector<16xi32>,
          %parallel_loop3A_136 = vector.bitcast %parallel_loop3A_135 : vector<16xi32> to vector<32xbf16>
          %parallel_loop3A_137 = arith.maximumf %parallel_loop3A_122, %parallel_loop3A_132 : vector<32xbf16>
          %parallel_loop3A_138 = arith.maximumf %parallel_loop3A_123, %parallel_loop3A_136 : vector<32xbf16>
          %parallel_loop3A_139 = arith.constant 7 : i32
          %parallel_loop3A_140 = vector.broadcast %parallel_loop3A_139 : i32 to vector<16x1xi32>
          %parallel_loop3A_141 = vector.shape_cast %parallel_loop3A_140 : vector<16x1xi32> to vector<16xi32>
          %parallel_loop3A_142 = tpu.dynamic_gather %parallel_loop3A_35[%parallel_loop3A_141] in [0] : vector<16xi32>, vector<16xi32> -> vector<16xi32>
          %parallel_loop3A_143 = arith.addi %parallel_loop3A_142, %iota3A : vector<16xi32>
          %parallel_loop3A_144 = arith.constant 0 : i32
          %parallel_loop3A_145 = tpu.memref_slice %arg5[%parallel_loop3A_144] : memref<3232xi32, #tpu.memory_space<vmem>> -> memref<3232xi32, #tpu.memory_space<vmem>>
          %parallel_loop3A_146 = tpu.vector_load_idx %parallel_loop3A_145[%parallel_loop3A_143] : memref<3232xi32, #tpu.memory_space<vmem>>[vector<16xi32>], vector<16xi32>,
          %parallel_loop3A_147 = vector.bitcast %parallel_loop3A_146 : vector<16xi32> to vector<32xbf16>
          %parallel_loop3A_148 = arith.constant 16 : i32
          %parallel_loop3A_149 = tpu.memref_slice %arg5[%parallel_loop3A_148] : memref<3232xi32, #tpu.memory_space<vmem>> -> memref<3216xi32, #tpu.memory_space<vmem>>
          %parallel_loop3A_150 = tpu.vector_load_idx %parallel_loop3A_149[%parallel_loop3A_143] : memref<3216xi32, #tpu.memory_space<vmem>>[vector<16xi32>], vector<16xi32>,
          %parallel_loop3A_151 = vector.bitcast %parallel_loop3A_150 : vector<16xi32> to vector<32xbf16>
          %parallel_loop3A_152 = arith.maximumf %parallel_loop3A_137, %parallel_loop3A_147 : vector<32xbf16>
          %parallel_loop3A_153 = arith.maximumf %parallel_loop3A_138, %parallel_loop3A_151 : vector<32xbf16>
          %parallel_loop3A_154 = arith.constant 8 : i32
          %parallel_loop3A_155 = vector.broadcast %parallel_loop3A_154 : i32 to vector<16x1xi32>
          %parallel_loop3A_156 = vector.shape_cast %parallel_loop3A_155 : vector<16x1xi32> to vector<16xi32>
          %parallel_loop3A_157 = tpu.dynamic_gather %parallel_loop3A_35[%parallel_loop3A_156] in [0] : vector<16xi32>, vector<16xi32> -> vector<16xi32>
          %parallel_loop3A_158 = arith.addi %parallel_loop3A_157, %iota3A : vector<16xi32>
          %parallel_loop3A_159 = arith.constant 0 : i32
          %parallel_loop3A_160 = tpu.memref_slice %arg5[%parallel_loop3A_159] : memref<3232xi32, #tpu.memory_space<vmem>> -> memref<3232xi32, #tpu.memory_space<vmem>>
          %parallel_loop3A_161 = tpu.vector_load_idx %parallel_loop3A_160[%parallel_loop3A_158] : memref<3232xi32, #tpu.memory_space<vmem>>[vector<16xi32>], vector<16xi32>,
          %parallel_loop3A_162 = vector.bitcast %parallel_loop3A_161 : vector<16xi32> to vector<32xbf16>
          %parallel_loop3A_163 = arith.constant 16 : i32
          %parallel_loop3A_164 = tpu.memref_slice %arg5[%parallel_loop3A_163] : memref<3232xi32, #tpu.memory_space<vmem>> -> memref<3216xi32, #tpu.memory_space<vmem>>
          %parallel_loop3A_165 = tpu.vector_load_idx %parallel_loop3A_164[%parallel_loop3A_158] : memref<3216xi32, #tpu.memory_space<vmem>>[vector<16xi32>], vector<16xi32>,
          %parallel_loop3A_166 = vector.bitcast %parallel_loop3A_165 : vector<16xi32> to vector<32xbf16>
          %parallel_loop3A_167 = arith.maximumf %parallel_loop3A_152, %parallel_loop3A_162 : vector<32xbf16>
          %parallel_loop3A_168 = arith.maximumf %parallel_loop3A_153, %parallel_loop3A_166 : vector<32xbf16>
          %parallel_loop3A_169 = arith.constant 9 : i32
          %parallel_loop3A_170 = vector.broadcast %parallel_loop3A_169 : i32 to vector<16x1xi32>
          %parallel_loop3A_171 = vector.shape_cast %parallel_loop3A_170 : vector<16x1xi32> to vector<16xi32>
          %parallel_loop3A_172 = tpu.dynamic_gather %parallel_loop3A_35[%parallel_loop3A_171] in [0] : vector<16xi32>, vector<16xi32> -> vector<16xi32>
          %parallel_loop3A_173 = arith.addi %parallel_loop3A_172, %iota3A : vector<16xi32>
          %parallel_loop3A_174 = arith.constant 0 : i32
          %parallel_loop3A_175 = tpu.memref_slice %arg5[%parallel_loop3A_174] : memref<3232xi32, #tpu.memory_space<vmem>> -> memref<3232xi32, #tpu.memory_space<vmem>>
          %parallel_loop3A_176 = tpu.vector_load_idx %parallel_loop3A_175[%parallel_loop3A_173] : memref<3232xi32, #tpu.memory_space<vmem>>[vector<16xi32>], vector<16xi32>,
          %parallel_loop3A_177 = vector.bitcast %parallel_loop3A_176 : vector<16xi32> to vector<32xbf16>
          %parallel_loop3A_178 = arith.constant 16 : i32
          %parallel_loop3A_179 = tpu.memref_slice %arg5[%parallel_loop3A_178] : memref<3232xi32, #tpu.memory_space<vmem>> -> memref<3216xi32, #tpu.memory_space<vmem>>
          %parallel_loop3A_180 = tpu.vector_load_idx %parallel_loop3A_179[%parallel_loop3A_173] : memref<3216xi32, #tpu.memory_space<vmem>>[vector<16xi32>], vector<16xi32>,
          %parallel_loop3A_181 = vector.bitcast %parallel_loop3A_180 : vector<16xi32> to vector<32xbf16>
          %parallel_loop3A_182 = arith.maximumf %parallel_loop3A_167, %parallel_loop3A_177 : vector<32xbf16>
          %parallel_loop3A_183 = arith.maximumf %parallel_loop3A_168, %parallel_loop3A_181 : vector<32xbf16>
          %parallel_loop3A_184 = arith.constant 10 : i32
          %parallel_loop3A_185 = vector.broadcast %parallel_loop3A_184 : i32 to vector<16x1xi32>
          %parallel_loop3A_186 = vector.shape_cast %parallel_loop3A_185 : vector<16x1xi32> to vector<16xi32>
          %parallel_loop3A_187 = tpu.dynamic_gather %parallel_loop3A_35[%parallel_loop3A_186] in [0] : vector<16xi32>, vector<16xi32> -> vector<16xi32>
          %parallel_loop3A_188 = arith.addi %parallel_loop3A_187, %iota3A : vector<16xi32>
          %parallel_loop3A_189 = arith.constant 0 : i32
          %parallel_loop3A_190 = tpu.memref_slice %arg5[%parallel_loop3A_189] : memref<3232xi32, #tpu.memory_space<vmem>> -> memref<3232xi32, #tpu.memory_space<vmem>>
          %parallel_loop3A_191 = tpu.vector_load_idx %parallel_loop3A_190[%parallel_loop3A_188] : memref<3232xi32, #tpu.memory_space<vmem>>[vector<16xi32>], vector<16xi32>,
          %parallel_loop3A_192 = vector.bitcast %parallel_loop3A_191 : vector<16xi32> to vector<32xbf16>
          %parallel_loop3A_193 = arith.constant 16 : i32
          %parallel_loop3A_194 = tpu.memref_slice %arg5[%parallel_loop3A_193] : memref<3232xi32, #tpu.memory_space<vmem>> -> memref<3216xi32, #tpu.memory_space<vmem>>
          %parallel_loop3A_195 = tpu.vector_load_idx %parallel_loop3A_194[%parallel_loop3A_188] : memref<3216xi32, #tpu.memory_space<vmem>>[vector<16xi32>], vector<16xi32>,
          %parallel_loop3A_196 = vector.bitcast %parallel_loop3A_195 : vector<16xi32> to vector<32xbf16>
          %parallel_loop3A_197 = arith.maximumf %parallel_loop3A_182, %parallel_loop3A_192 : vector<32xbf16>
          %parallel_loop3A_198 = arith.maximumf %parallel_loop3A_183, %parallel_loop3A_196 : vector<32xbf16>
          %parallel_loop3A_199 = arith.constant 11 : i32
          %parallel_loop3A_200 = vector.broadcast %parallel_loop3A_199 : i32 to vector<16x1xi32>
          %parallel_loop3A_201 = vector.shape_cast %parallel_loop3A_200 : vector<16x1xi32> to vector<16xi32>
          %parallel_loop3A_202 = tpu.dynamic_gather %parallel_loop3A_35[%parallel_loop3A_201] in [0] : vector<16xi32>, vector<16xi32> -> vector<16xi32>
          %parallel_loop3A_203 = arith.addi %parallel_loop3A_202, %iota3A : vector<16xi32>
          %parallel_loop3A_204 = arith.constant 0 : i32
          %parallel_loop3A_205 = tpu.memref_slice %arg5[%parallel_loop3A_204] : memref<3232xi32, #tpu.memory_space<vmem>> -> memref<3232xi32, #tpu.memory_space<vmem>>
          %parallel_loop3A_206 = tpu.vector_load_idx %parallel_loop3A_205[%parallel_loop3A_203] : memref<3232xi32, #tpu.memory_space<vmem>>[vector<16xi32>], vector<16xi32>,
          %parallel_loop3A_207 = vector.bitcast %parallel_loop3A_206 : vector<16xi32> to vector<32xbf16>
          %parallel_loop3A_208 = arith.constant 16 : i32
          %parallel_loop3A_209 = tpu.memref_slice %arg5[%parallel_loop3A_208] : memref<3232xi32, #tpu.memory_space<vmem>> -> memref<3216xi32, #tpu.memory_space<vmem>>
          %parallel_loop3A_210 = tpu.vector_load_idx %parallel_loop3A_209[%parallel_loop3A_203] : memref<3216xi32, #tpu.memory_space<vmem>>[vector<16xi32>], vector<16xi32>,
          %parallel_loop3A_211 = vector.bitcast %parallel_loop3A_210 : vector<16xi32> to vector<32xbf16>
          %parallel_loop3A_212 = arith.maximumf %parallel_loop3A_197, %parallel_loop3A_207 : vector<32xbf16>
          %parallel_loop3A_213 = arith.maximumf %parallel_loop3A_198, %parallel_loop3A_211 : vector<32xbf16>
          %parallel_loop3A_214 = arith.constant 12 : i32
          %parallel_loop3A_215 = vector.broadcast %parallel_loop3A_214 : i32 to vector<16x1xi32>
          %parallel_loop3A_216 = vector.shape_cast %parallel_loop3A_215 : vector<16x1xi32> to vector<16xi32>
          %parallel_loop3A_217 = tpu.dynamic_gather %parallel_loop3A_35[%parallel_loop3A_216] in [0] : vector<16xi32>, vector<16xi32> -> vector<16xi32>
          %parallel_loop3A_218 = arith.addi %parallel_loop3A_217, %iota3A : vector<16xi32>
          %parallel_loop3A_219 = arith.constant 0 : i32
          %parallel_loop3A_220 = tpu.memref_slice %arg5[%parallel_loop3A_219] : memref<3232xi32, #tpu.memory_space<vmem>> -> memref<3232xi32, #tpu.memory_space<vmem>>
          %parallel_loop3A_221 = tpu.vector_load_idx %parallel_loop3A_220[%parallel_loop3A_218] : memref<3232xi32, #tpu.memory_space<vmem>>[vector<16xi32>], vector<16xi32>,
          %parallel_loop3A_222 = vector.bitcast %parallel_loop3A_221 : vector<16xi32> to vector<32xbf16>
          %parallel_loop3A_223 = arith.constant 16 : i32
          %parallel_loop3A_224 = tpu.memref_slice %arg5[%parallel_loop3A_223] : memref<3232xi32, #tpu.memory_space<vmem>> -> memref<3216xi32, #tpu.memory_space<vmem>>
          %parallel_loop3A_225 = tpu.vector_load_idx %parallel_loop3A_224[%parallel_loop3A_218] : memref<3216xi32, #tpu.memory_space<vmem>>[vector<16xi32>], vector<16xi32>,
          %parallel_loop3A_226 = vector.bitcast %parallel_loop3A_225 : vector<16xi32> to vector<32xbf16>
          %parallel_loop3A_227 = arith.maximumf %parallel_loop3A_212, %parallel_loop3A_222 : vector<32xbf16>
          %parallel_loop3A_228 = arith.maximumf %parallel_loop3A_213, %parallel_loop3A_226 : vector<32xbf16>
          %parallel_loop3A_229 = arith.constant 13 : i32
          %parallel_loop3A_230 = vector.broadcast %parallel_loop3A_229 : i32 to vector<16x1xi32>
          %parallel_loop3A_231 = vector.shape_cast %parallel_loop3A_230 : vector<16x1xi32> to vector<16xi32>
          %parallel_loop3A_232 = tpu.dynamic_gather %parallel_loop3A_35[%parallel_loop3A_231] in [0] : vector<16xi32>, vector<16xi32> -> vector<16xi32>
          %parallel_loop3A_233 = arith.addi %parallel_loop3A_232, %iota3A : vector<16xi32>
          %parallel_loop3A_234 = arith.constant 0 : i32
          %parallel_loop3A_235 = tpu.memref_slice %arg5[%parallel_loop3A_234] : memref<3232xi32, #tpu.memory_space<vmem>> -> memref<3232xi32, #tpu.memory_space<vmem>>
          %parallel_loop3A_236 = tpu.vector_load_idx %parallel_loop3A_235[%parallel_loop3A_233] : memref<3232xi32, #tpu.memory_space<vmem>>[vector<16xi32>], vector<16xi32>,
          %parallel_loop3A_237 = vector.bitcast %parallel_loop3A_236 : vector<16xi32> to vector<32xbf16>
          %parallel_loop3A_238 = arith.constant 16 : i32
          %parallel_loop3A_239 = tpu.memref_slice %arg5[%parallel_loop3A_238] : memref<3232xi32, #tpu.memory_space<vmem>> -> memref<3216xi32, #tpu.memory_space<vmem>>
          %parallel_loop3A_240 = tpu.vector_load_idx %parallel_loop3A_239[%parallel_loop3A_233] : memref<3216xi32, #tpu.memory_space<vmem>>[vector<16xi32>], vector<16xi32>,
          %parallel_loop3A_241 = vector.bitcast %parallel_loop3A_240 : vector<16xi32> to vector<32xbf16>
          %parallel_loop3A_242 = arith.maximumf %parallel_loop3A_227, %parallel_loop3A_237 : vector<32xbf16>
          %parallel_loop3A_243 = arith.maximumf %parallel_loop3A_228, %parallel_loop3A_241 : vector<32xbf16>
          %parallel_loop3A_244 = arith.constant 14 : i32
          %parallel_loop3A_245 = vector.broadcast %parallel_loop3A_244 : i32 to vector<16x1xi32>
          %parallel_loop3A_246 = vector.shape_cast %parallel_loop3A_245 : vector<16x1xi32> to vector<16xi32>
          %parallel_loop3A_247 = tpu.dynamic_gather %parallel_loop3A_35[%parallel_loop3A_246] in [0] : vector<16xi32>, vector<16xi32> -> vector<16xi32>
          %parallel_loop3A_248 = arith.addi %parallel_loop3A_247, %iota3A : vector<16xi32>
          %parallel_loop3A_249 = arith.constant 0 : i32
          %parallel_loop3A_250 = tpu.memref_slice %arg5[%parallel_loop3A_249] : memref<3232xi32, #tpu.memory_space<vmem>> -> memref<3232xi32, #tpu.memory_space<vmem>>
          %parallel_loop3A_251 = tpu.vector_load_idx %parallel_loop3A_250[%parallel_loop3A_248] : memref<3232xi32, #tpu.memory_space<vmem>>[vector<16xi32>], vector<16xi32>,
          %parallel_loop3A_252 = vector.bitcast %parallel_loop3A_251 : vector<16xi32> to vector<32xbf16>
          %parallel_loop3A_253 = arith.constant 16 : i32
          %parallel_loop3A_254 = tpu.memref_slice %arg5[%parallel_loop3A_253] : memref<3232xi32, #tpu.memory_space<vmem>> -> memref<3216xi32, #tpu.memory_space<vmem>>
          %parallel_loop3A_255 = tpu.vector_load_idx %parallel_loop3A_254[%parallel_loop3A_248] : memref<3216xi32, #tpu.memory_space<vmem>>[vector<16xi32>], vector<16xi32>,
          %parallel_loop3A_256 = vector.bitcast %parallel_loop3A_255 : vector<16xi32> to vector<32xbf16>
          %parallel_loop3A_257 = arith.maximumf %parallel_loop3A_242, %parallel_loop3A_252 : vector<32xbf16>
          %parallel_loop3A_258 = arith.maximumf %parallel_loop3A_243, %parallel_loop3A_256 : vector<32xbf16>
          %parallel_loop3A_259 = arith.constant 15 : i32
          %parallel_loop3A_260 = vector.broadcast %parallel_loop3A_259 : i32 to vector<16x1xi32>
          %parallel_loop3A_261 = vector.shape_cast %parallel_loop3A_260 : vector<16x1xi32> to vector<16xi32>
          %parallel_loop3A_262 = tpu.dynamic_gather %parallel_loop3A_35[%parallel_loop3A_261] in [0] : vector<16xi32>, vector<16xi32> -> vector<16xi32>
          %parallel_loop3A_263 = arith.addi %parallel_loop3A_262, %iota3A : vector<16xi32>
          %parallel_loop3A_264 = arith.constant 0 : i32
          %parallel_loop3A_265 = tpu.memref_slice %arg5[%parallel_loop3A_264] : memref<3232xi32, #tpu.memory_space<vmem>> -> memref<3232xi32, #tpu.memory_space<vmem>>
          %parallel_loop3A_266 = tpu.vector_load_idx %parallel_loop3A_265[%parallel_loop3A_263] : memref<3232xi32, #tpu.memory_space<vmem>>[vector<16xi32>], vector<16xi32>,
          %parallel_loop3A_267 = vector.bitcast %parallel_loop3A_266 : vector<16xi32> to vector<32xbf16>
          %parallel_loop3A_268 = arith.constant 16 : i32
          %parallel_loop3A_269 = tpu.memref_slice %arg5[%parallel_loop3A_268] : memref<3232xi32, #tpu.memory_space<vmem>> -> memref<3216xi32, #tpu.memory_space<vmem>>
          %parallel_loop3A_270 = tpu.vector_load_idx %parallel_loop3A_269[%parallel_loop3A_263] : memref<3216xi32, #tpu.memory_space<vmem>>[vector<16xi32>], vector<16xi32>,
          %parallel_loop3A_271 = vector.bitcast %parallel_loop3A_270 : vector<16xi32> to vector<32xbf16>
          %parallel_loop3A_272 = arith.maximumf %parallel_loop3A_257, %parallel_loop3A_267 : vector<32xbf16>
          %parallel_loop3A_273 = arith.maximumf %parallel_loop3A_258, %parallel_loop3A_271 : vector<32xbf16>
          %parallel_loop3A_274 = vector.bitcast %parallel_loop3A_272 : vector<32xbf16> to vector<16xi32>
          %parallel_loop3A_275 = arith.constant 16 : i32
          %parallel_loop3A_276 = vector.broadcast %parallel_loop3A_275 : i32 to vector<16xi32>
          %parallel_loop3A_277 = arith.shli %parallel_loop3A_274, %parallel_loop3A_276 : vector<16xi32>
          %parallel_loop3A_278 = vector.bitcast %parallel_loop3A_277 : vector<16xi32> to vector<16xf32>
          %parallel_loop3A_279 = arith.andi %parallel_loop3A_274, %broadcast_in_dim3A_3 : vector<16xi32>
          %parallel_loop3A_280 = vector.bitcast %parallel_loop3A_279 : vector<16xi32> to vector<16xf32>
          %parallel_loop3A_281 = arith.index_cast %add3A_25 : i32 to index
          %parallel_loop3A_282 = arith.index_cast %parallel_loop3A_28 : i32 to index
          %parallel_loop3A_283 = arith.constant 0 : index
          %parallel_loop3A_284 = tpu.vector_load %arg7[%parallel_loop3A_281, %parallel_loop3A_282, %parallel_loop3A_283] {strides = array<i32>} : memref<2x50x64xf32, #tpu.memory_space<vmem>>, vector<16xf32>,
          tpu.vector_store %arg7[%parallel_loop3A_281, %parallel_loop3A_282, %parallel_loop3A_283], %parallel_loop3A_278 {strides = array<i32>} : memref<2x50x64xf32, #tpu.memory_space<vmem>>, vector<16xf32>,
          %parallel_loop3A_285 = arith.index_cast %add3A_25 : i32 to index
          %parallel_loop3A_286 = arith.index_cast %parallel_loop3A_28 : i32 to index
          %parallel_loop3A_287 = arith.constant 16 : index
          %parallel_loop3A_288 = tpu.vector_load %arg7[%parallel_loop3A_285, %parallel_loop3A_286, %parallel_loop3A_287] {strides = array<i32>} : memref<2x50x64xf32, #tpu.memory_space<vmem>>, vector<16xf32>,
          tpu.vector_store %arg7[%parallel_loop3A_285, %parallel_loop3A_286, %parallel_loop3A_287], %parallel_loop3A_280 {strides = array<i32>} : memref<2x50x64xf32, #tpu.memory_space<vmem>>, vector<16xf32>,
          %parallel_loop3A_289 = vector.bitcast %parallel_loop3A_273 : vector<32xbf16> to vector<16xi32>
          %parallel_loop3A_290 = arith.constant 16 : i32
          %parallel_loop3A_291 = vector.broadcast %parallel_loop3A_290 : i32 to vector<16xi32>
          %parallel_loop3A_292 = arith.shli %parallel_loop3A_289, %parallel_loop3A_291 : vector<16xi32>
          %parallel_loop3A_293 = vector.bitcast %parallel_loop3A_292 : vector<16xi32> to vector<16xf32>
          %parallel_loop3A_294 = arith.andi %parallel_loop3A_289, %broadcast_in_dim3A_3 : vector<16xi32>
          %parallel_loop3A_295 = vector.bitcast %parallel_loop3A_294 : vector<16xi32> to vector<16xf32>
          %parallel_loop3A_296 = arith.index_cast %add3A_25 : i32 to index
          %parallel_loop3A_297 = arith.index_cast %parallel_loop3A_28 : i32 to index
          %parallel_loop3A_298 = arith.constant 32 : index
          %parallel_loop3A_299 = tpu.vector_load %arg7[%parallel_loop3A_296, %parallel_loop3A_297, %parallel_loop3A_298] {strides = array<i32>} : memref<2x50x64xf32, #tpu.memory_space<vmem>>, vector<16xf32>,
          tpu.vector_store %arg7[%parallel_loop3A_296, %parallel_loop3A_297, %parallel_loop3A_298], %parallel_loop3A_293 {strides = array<i32>} : memref<2x50x64xf32, #tpu.memory_space<vmem>>, vector<16xf32>,
          %parallel_loop3A_300 = arith.index_cast %add3A_25 : i32 to index
          %parallel_loop3A_301 = arith.index_cast %parallel_loop3A_28 : i32 to index
          %parallel_loop3A_302 = arith.constant 48 : index
          %parallel_loop3A_303 = tpu.vector_load %arg7[%parallel_loop3A_300, %parallel_loop3A_301, %parallel_loop3A_302] {strides = array<i32>} : memref<2x50x64xf32, #tpu.memory_space<vmem>>, vector<16xf32>,
          tpu.vector_store %arg7[%parallel_loop3A_300, %parallel_loop3A_301, %parallel_loop3A_302], %parallel_loop3A_295 {strides = array<i32>} : memref<2x50x64xf32, #tpu.memory_space<vmem>>, vector<16xf32>,
        } {sc.loop_unroll_factor = 2 : i64, sc.parallel_access}
      }
      %scan3A_20 = arith.constant 2 : i32
      "tpu.region"() ({
        %run_scoped3A = tpu.sem_alloc : memref<!tpu.dma_semaphore, #tpu.memory_space<semaphore_mem>>
        %dma_start3A = arith.constant 0 : i32
        %dma_start3A_21 = arith.constant 0 : i32
        %dma_start3A_22 = tpu.memref_slice %arg4[%add3A_15, %dma_start3A, %dma_start3A_21] : memref<704x50x64xf32, #tpu.memory_space<hbm>> -> memref<2x50x64xf32, #tpu.memory_space<hbm>>
        %dma_start3A_23 = arith.constant 0 : i32
        %dma_start3A_24 = arith.constant 0 : i32
        %dma_start3A_25 = tpu.memref_slice %arg4[%add3A_15, %dma_start3A_23, %dma_start3A_24] : memref<704x50x64xf32, #tpu.memory_space<hbm>> -> memref<2x50x64xf32, #tpu.memory_space<hbm>>
        tpu.enqueue_dma source(%arg7 : memref<2x50x64xf32, #tpu.memory_space<vmem>>) target(%dma_start3A_25 : memref<2x50x64xf32, #tpu.memory_space<hbm>>) target_semaphore(%run_scoped3A : memref<!tpu.dma_semaphore, #tpu.memory_space<semaphore_mem>>)
        %dma_wait3A = arith.constant 0 : i32
        %dma_wait3A_26 = arith.constant 0 : i32
        %dma_wait3A_27 = tpu.memref_slice %arg4[%add3A_15, %dma_wait3A, %dma_wait3A_26] : memref<704x50x64xf32, #tpu.memory_space<hbm>> -> memref<2x50x64xf32, #tpu.memory_space<hbm>>
        %dma_wait3A_28 = arith.constant 0 : i32
        %dma_wait3A_29 = arith.constant 0 : i32
        %dma_wait3A_30 = tpu.memref_slice %arg4[%add3A_15, %dma_wait3A_28, %dma_wait3A_29] : memref<704x50x64xf32, #tpu.memory_space<hbm>> -> memref<2x50x64xf32, #tpu.memory_space<hbm>>
        tpu.wait_dma2 semaphore(%run_scoped3A : memref<!tpu.dma_semaphore, #tpu.memory_space<semaphore_mem>>) src(%arg7 : memref<2x50x64xf32, #tpu.memory_space<vmem>>) dst(%dma_wait3A_30 : memref<2x50x64xf32, #tpu.memory_space<hbm>>)
        tpu.yield
      }) : () -> ()
    }
    %scan3A_7 = arith.constant 11 : i32
    return
  }
}

#map = affine_map<(d0, d1) -> (0, 0, 0)>
#map1 = affine_map<(d0, d1) -> (0)>
module attributes {stable_mosaic.version = 14 : i64} {
  func.func @k(%arg0: i32, %arg1: i32, %arg2: memref<320x50x16xi32, #tpu.memory_space<hbm>>, %arg3: memref<3232xi32, #tpu.memory_space<hbm>>, %arg4: memref<320x50x64xf32, #tpu.memory_space<hbm>>, %arg5: memref<3232xi32, #tpu.memory_space<vmem>>, %arg6: memref<5x50x16xi32, #tpu.memory_space<vmem>>, %arg7: memref<5x50x64xf32, #tpu.memory_space<vmem>>) attributes {dimension_semantics = [#tpu.dimension_semantics<core_parallel>, #tpu.dimension_semantics<subcore_parallel>], iteration_bounds = array<i64: 2, 16>, scalar_prefetch = 0 : i64, scratch_operands = 3 : i64, tpu.core_type = #tpu.core_type<sc_vector_subcore>, window_params = [{transform_indices = #map}, {transform_indices = #map1}, {transform_indices = #map}]} {
    %mul3A = arith.constant 2 : i32
    %mul3A_0 = arith.muli %arg1, %mul3A : i32
    %add3A = arith.addi %mul3A_0, %arg0 : i32
    %mul3A_1 = arith.constant 10 : i32
    %mul3A_2 = arith.muli %add3A, %mul3A_1 : i32
    "tpu.region"() ({
      %run_scoped3A = tpu.sem_alloc : memref<!tpu.dma_semaphore, #tpu.memory_space<semaphore_mem>>
      tpu.enqueue_dma source(%arg3 : memref<3232xi32, #tpu.memory_space<hbm>>) target(%arg5 : memref<3232xi32, #tpu.memory_space<vmem>>) target_semaphore(%run_scoped3A : memref<!tpu.dma_semaphore, #tpu.memory_space<semaphore_mem>>)
      tpu.wait_dma2 semaphore(%run_scoped3A : memref<!tpu.dma_semaphore, #tpu.memory_space<semaphore_mem>>) src(%arg3 : memref<3232xi32, #tpu.memory_space<hbm>>) dst(%arg5 : memref<3232xi32, #tpu.memory_space<vmem>>)
      tpu.yield
    }) : () -> ()
    %broadcast_in_dim3A = arith.constant -65536 : i32
    %broadcast_in_dim3A_3 = vector.broadcast %broadcast_in_dim3A : i32 to vector<16xi32>
    %iota3A = tpu.iota {dimensions = array<i32: 0>} : vector<16xi32>
    %scan3A = arith.constant 0 : i32
    %scan3A_4 = arith.constant 2 : i32
    %scan3A_5 = arith.addi %scan3A, %scan3A_4 : i32
    %scan3A_6 = arith.constant 1 : i32
    scf.for %scan3A_8 = %scan3A to %scan3A_5 step %scan3A_6  : i32 {
      %mul3A_9 = arith.constant 1 : i32
      %mul3A_10 = arith.muli %scan3A_8, %mul3A_9 : i32
      %add3A_11 = arith.constant 0 : i32
      %add3A_12 = arith.addi %add3A_11, %mul3A_10 : i32
      %mul3A_13 = arith.constant 5 : i32
      %mul3A_14 = arith.muli %add3A_12, %mul3A_13 : i32
      %add3A_15 = arith.addi %mul3A_2, %mul3A_14 : i32
      "tpu.region"() ({
        %run_scoped3A = tpu.sem_alloc : memref<!tpu.dma_semaphore, #tpu.memory_space<semaphore_mem>>
        %dma_start3A = arith.constant 0 : i32
        %dma_start3A_21 = arith.constant 0 : i32
        %dma_start3A_22 = tpu.memref_slice %arg2[%add3A_15, %dma_start3A, %dma_start3A_21] : memref<320x50x16xi32, #tpu.memory_space<hbm>> -> memref<5x50x16xi32, #tpu.memory_space<hbm>>
        %dma_start3A_23 = arith.constant 0 : i32
        %dma_start3A_24 = arith.constant 0 : i32
        %dma_start3A_25 = tpu.memref_slice %arg2[%add3A_15, %dma_start3A_23, %dma_start3A_24] : memref<320x50x16xi32, #tpu.memory_space<hbm>> -> memref<5x50x16xi32, #tpu.memory_space<hbm>>
        tpu.enqueue_dma source(%dma_start3A_25 : memref<5x50x16xi32, #tpu.memory_space<hbm>>) target(%arg6 : memref<5x50x16xi32, #tpu.memory_space<vmem>>) target_semaphore(%run_scoped3A : memref<!tpu.dma_semaphore, #tpu.memory_space<semaphore_mem>>)
        %dma_wait3A = arith.constant 0 : i32
        %dma_wait3A_26 = arith.constant 0 : i32
        %dma_wait3A_27 = tpu.memref_slice %arg2[%add3A_15, %dma_wait3A, %dma_wait3A_26] : memref<320x50x16xi32, #tpu.memory_space<hbm>> -> memref<5x50x16xi32, #tpu.memory_space<hbm>>
        %dma_wait3A_28 = arith.constant 0 : i32
        %dma_wait3A_29 = arith.constant 0 : i32
        %dma_wait3A_30 = tpu.memref_slice %arg2[%add3A_15, %dma_wait3A_28, %dma_wait3A_29] : memref<320x50x16xi32, #tpu.memory_space<hbm>> -> memref<5x50x16xi32, #tpu.memory_space<hbm>>
        tpu.wait_dma2 semaphore(%run_scoped3A : memref<!tpu.dma_semaphore, #tpu.memory_space<semaphore_mem>>) src(%dma_wait3A_30 : memref<5x50x16xi32, #tpu.memory_space<hbm>>) dst(%arg6 : memref<5x50x16xi32, #tpu.memory_space<vmem>>)
        tpu.yield
      }) : () -> ()
      %scan3A_16 = arith.constant 0 : i32
      %scan3A_17 = arith.constant 5 : i32
      %scan3A_18 = arith.addi %scan3A_16, %scan3A_17 : i32
      %scan3A_19 = arith.constant 1 : i32
      scf.for %scan3A_21 = %scan3A_16 to %scan3A_18 step %scan3A_19  : i32 {
        %mul3A_22 = arith.constant 1 : i32
        %mul3A_23 = arith.muli %scan3A_21, %mul3A_22 : i32
        %add3A_24 = arith.constant 0 : i32
        %add3A_25 = arith.addi %add3A_24, %mul3A_23 : i32
        %parallel_loop3A = arith.constant 0 : i32
        %parallel_loop3A_26 = arith.constant 50 : i32
        %parallel_loop3A_27 = arith.constant 1 : i32
        scf.for %parallel_loop3A_28 = %parallel_loop3A to %parallel_loop3A_26 step %parallel_loop3A_27  : i32 {
          %parallel_loop3A_29 = arith.index_cast %add3A_25 : i32 to index
          %parallel_loop3A_30 = arith.index_cast %parallel_loop3A_28 : i32 to index
          %parallel_loop3A_31 = arith.constant 0 : index
          %parallel_loop3A_32 = tpu.vector_load %arg6[%parallel_loop3A_29, %parallel_loop3A_30, %parallel_loop3A_31] {strides = array<i32>} : memref<5x50x16xi32, #tpu.memory_space<vmem>>, vector<16xi32>,
          %parallel_loop3A_33 = arith.constant 5 : i32
          %parallel_loop3A_34 = vector.broadcast %parallel_loop3A_33 : i32 to vector<16xi32>
          %parallel_loop3A_35 = arith.shli %parallel_loop3A_32, %parallel_loop3A_34 : vector<16xi32>
          %parallel_loop3A_36 = arith.constant 0 : i32
          %parallel_loop3A_37 = vector.broadcast %parallel_loop3A_36 : i32 to vector<16x1xi32>
          %parallel_loop3A_38 = vector.shape_cast %parallel_loop3A_37 : vector<16x1xi32> to vector<16xi32>
          %parallel_loop3A_39 = tpu.dynamic_gather %parallel_loop3A_35[%parallel_loop3A_38] in [0] : vector<16xi32>, vector<16xi32> -> vector<16xi32>
          %parallel_loop3A_40 = arith.addi %parallel_loop3A_39, %iota3A : vector<16xi32>
          %parallel_loop3A_41 = arith.constant 0 : i32
          %parallel_loop3A_42 = tpu.memref_slice %arg5[%parallel_loop3A_41] : memref<3232xi32, #tpu.memory_space<vmem>> -> memref<3232xi32, #tpu.memory_space<vmem>>
          %parallel_loop3A_43 = tpu.vector_load_idx %parallel_loop3A_42[%parallel_loop3A_40] : memref<3232xi32, #tpu.memory_space<vmem>>[vector<16xi32>], vector<16xi32>,
          %parallel_loop3A_44 = vector.bitcast %parallel_loop3A_43 : vector<16xi32> to vector<32xbf16>
          %parallel_loop3A_45 = arith.constant 16 : i32
          %parallel_loop3A_46 = tpu.memref_slice %arg5[%parallel_loop3A_45] : memref<3232xi32, #tpu.memory_space<vmem>> -> memref<3216xi32, #tpu.memory_space<vmem>>
          %parallel_loop3A_47 = tpu.vector_load_idx %parallel_loop3A_46[%parallel_loop3A_40] : memref<3216xi32, #tpu.memory_space<vmem>>[vector<16xi32>], vector<16xi32>,
          %parallel_loop3A_48 = vector.bitcast %parallel_loop3A_47 : vector<16xi32> to vector<32xbf16>
          %parallel_loop3A_49 = arith.constant 1 : i32
          %parallel_loop3A_50 = vector.broadcast %parallel_loop3A_49 : i32 to vector<16x1xi32>
          %parallel_loop3A_51 = vector.shape_cast %parallel_loop3A_50 : vector<16x1xi32> to vector<16xi32>
          %parallel_loop3A_52 = tpu.dynamic_gather %parallel_loop3A_35[%parallel_loop3A_51] in [0] : vector<16xi32>, vector<16xi32> -> vector<16xi32>
          %parallel_loop3A_53 = arith.addi %parallel_loop3A_52, %iota3A : vector<16xi32>
          %parallel_loop3A_54 = arith.constant 0 : i32
          %parallel_loop3A_55 = tpu.memref_slice %arg5[%parallel_loop3A_54] : memref<3232xi32, #tpu.memory_space<vmem>> -> memref<3232xi32, #tpu.memory_space<vmem>>
          %parallel_loop3A_56 = tpu.vector_load_idx %parallel_loop3A_55[%parallel_loop3A_53] : memref<3232xi32, #tpu.memory_space<vmem>>[vector<16xi32>], vector<16xi32>,
          %parallel_loop3A_57 = vector.bitcast %parallel_loop3A_56 : vector<16xi32> to vector<32xbf16>
          %parallel_loop3A_58 = arith.constant 16 : i32
          %parallel_loop3A_59 = tpu.memref_slice %arg5[%parallel_loop3A_58] : memref<3232xi32, #tpu.memory_space<vmem>> -> memref<3216xi32, #tpu.memory_space<vmem>>
          %parallel_loop3A_60 = tpu.vector_load_idx %parallel_loop3A_59[%parallel_loop3A_53] : memref<3216xi32, #tpu.memory_space<vmem>>[vector<16xi32>], vector<16xi32>,
          %parallel_loop3A_61 = vector.bitcast %parallel_loop3A_60 : vector<16xi32> to vector<32xbf16>
          %parallel_loop3A_62 = arith.maximumf %parallel_loop3A_44, %parallel_loop3A_57 : vector<32xbf16>
          %parallel_loop3A_63 = arith.maximumf %parallel_loop3A_48, %parallel_loop3A_61 : vector<32xbf16>
          %parallel_loop3A_64 = arith.constant 2 : i32
          %parallel_loop3A_65 = vector.broadcast %parallel_loop3A_64 : i32 to vector<16x1xi32>
          %parallel_loop3A_66 = vector.shape_cast %parallel_loop3A_65 : vector<16x1xi32> to vector<16xi32>
          %parallel_loop3A_67 = tpu.dynamic_gather %parallel_loop3A_35[%parallel_loop3A_66] in [0] : vector<16xi32>, vector<16xi32> -> vector<16xi32>
          %parallel_loop3A_68 = arith.addi %parallel_loop3A_67, %iota3A : vector<16xi32>
          %parallel_loop3A_69 = arith.constant 0 : i32
          %parallel_loop3A_70 = tpu.memref_slice %arg5[%parallel_loop3A_69] : memref<3232xi32, #tpu.memory_space<vmem>> -> memref<3232xi32, #tpu.memory_space<vmem>>
          %parallel_loop3A_71 = tpu.vector_load_idx %parallel_loop3A_70[%parallel_loop3A_68] : memref<3232xi32, #tpu.memory_space<vmem>>[vector<16xi32>], vector<16xi32>,
          %parallel_loop3A_72 = vector.bitcast %parallel_loop3A_71 : vector<16xi32> to vector<32xbf16>
          %parallel_loop3A_73 = arith.constant 16 : i32
          %parallel_loop3A_74 = tpu.memref_slice %arg5[%parallel_loop3A_73] : memref<3232xi32, #tpu.memory_space<vmem>> -> memref<3216xi32, #tpu.memory_space<vmem>>
          %parallel_loop3A_75 = tpu.vector_load_idx %parallel_loop3A_74[%parallel_loop3A_68] : memref<3216xi32, #tpu.memory_space<vmem>>[vector<16xi32>], vector<16xi32>,
          %parallel_loop3A_76 = vector.bitcast %parallel_loop3A_75 : vector<16xi32> to vector<32xbf16>
          %parallel_loop3A_77 = arith.maximumf %parallel_loop3A_62, %parallel_loop3A_72 : vector<32xbf16>
          %parallel_loop3A_78 = arith.maximumf %parallel_loop3A_63, %parallel_loop3A_76 : vector<32xbf16>
          %parallel_loop3A_79 = arith.constant 3 : i32
          %parallel_loop3A_80 = vector.broadcast %parallel_loop3A_79 : i32 to vector<16x1xi32>
          %parallel_loop3A_81 = vector.shape_cast %parallel_loop3A_80 : vector<16x1xi32> to vector<16xi32>
          %parallel_loop3A_82 = tpu.dynamic_gather %parallel_loop3A_35[%parallel_loop3A_81] in [0] : vector<16xi32>, vector<16xi32> -> vector<16xi32>
          %parallel_loop3A_83 = arith.addi %parallel_loop3A_82, %iota3A : vector<16xi32>
          %parallel_loop3A_84 = arith.constant 0 : i32
          %parallel_loop3A_85 = tpu.memref_slice %arg5[%parallel_loop3A_84] : memref<3232xi32, #tpu.memory_space<vmem>> -> memref<3232xi32, #tpu.memory_space<vmem>>
          %parallel_loop3A_86 = tpu.vector_load_idx %parallel_loop3A_85[%parallel_loop3A_83] : memref<3232xi32, #tpu.memory_space<vmem>>[vector<16xi32>], vector<16xi32>,
          %parallel_loop3A_87 = vector.bitcast %parallel_loop3A_86 : vector<16xi32> to vector<32xbf16>
          %parallel_loop3A_88 = arith.constant 16 : i32
          %parallel_loop3A_89 = tpu.memref_slice %arg5[%parallel_loop3A_88] : memref<3232xi32, #tpu.memory_space<vmem>> -> memref<3216xi32, #tpu.memory_space<vmem>>
          %parallel_loop3A_90 = tpu.vector_load_idx %parallel_loop3A_89[%parallel_loop3A_83] : memref<3216xi32, #tpu.memory_space<vmem>>[vector<16xi32>], vector<16xi32>,
          %parallel_loop3A_91 = vector.bitcast %parallel_loop3A_90 : vector<16xi32> to vector<32xbf16>
          %parallel_loop3A_92 = arith.maximumf %parallel_loop3A_77, %parallel_loop3A_87 : vector<32xbf16>
          %parallel_loop3A_93 = arith.maximumf %parallel_loop3A_78, %parallel_loop3A_91 : vector<32xbf16>
          %parallel_loop3A_94 = arith.constant 4 : i32
          %parallel_loop3A_95 = vector.broadcast %parallel_loop3A_94 : i32 to vector<16x1xi32>
          %parallel_loop3A_96 = vector.shape_cast %parallel_loop3A_95 : vector<16x1xi32> to vector<16xi32>
          %parallel_loop3A_97 = tpu.dynamic_gather %parallel_loop3A_35[%parallel_loop3A_96] in [0] : vector<16xi32>, vector<16xi32> -> vector<16xi32>
          %parallel_loop3A_98 = arith.addi %parallel_loop3A_97, %iota3A : vector<16xi32>
          %parallel_loop3A_99 = arith.constant 0 : i32
          %parallel_loop3A_100 = tpu.memref_slice %arg5[%parallel_loop3A_99] : memref<3232xi32, #tpu.memory_space<vmem>> -> memref<3232xi32, #tpu.memory_space<vmem>>
          %parallel_loop3A_101 = tpu.vector_load_idx %parallel_loop3A_100[%parallel_loop3A_98] : memref<3232xi32, #tpu.memory_space<vmem>>[vector<16xi32>], vector<16xi32>,
          %parallel_loop3A_102 = vector.bitcast %parallel_loop3A_101 : vector<16xi32> to vector<32xbf16>
          %parallel_loop3A_103 = arith.constant 16 : i32
          %parallel_loop3A_104 = tpu.memref_slice %arg5[%parallel_loop3A_103] : memref<3232xi32, #tpu.memory_space<vmem>> -> memref<3216xi32, #tpu.memory_space<vmem>>
          %parallel_loop3A_105 = tpu.vector_load_idx %parallel_loop3A_104[%parallel_loop3A_98] : memref<3216xi32, #tpu.memory_space<vmem>>[vector<16xi32>], vector<16xi32>,
          %parallel_loop3A_106 = vector.bitcast %parallel_loop3A_105 : vector<16xi32> to vector<32xbf16>
          %parallel_loop3A_107 = arith.maximumf %parallel_loop3A_92, %parallel_loop3A_102 : vector<32xbf16>
          %parallel_loop3A_108 = arith.maximumf %parallel_loop3A_93, %parallel_loop3A_106 : vector<32xbf16>
          %parallel_loop3A_109 = arith.constant 5 : i32
          %parallel_loop3A_110 = vector.broadcast %parallel_loop3A_109 : i32 to vector<16x1xi32>
          %parallel_loop3A_111 = vector.shape_cast %parallel_loop3A_110 : vector<16x1xi32> to vector<16xi32>
          %parallel_loop3A_112 = tpu.dynamic_gather %parallel_loop3A_35[%parallel_loop3A_111] in [0] : vector<16xi32>, vector<16xi32> -> vector<16xi32>
          %parallel_loop3A_113 = arith.addi %parallel_loop3A_112, %iota3A : vector<16xi32>
          %parallel_loop3A_114 = arith.constant 0 : i32
          %parallel_loop3A_115 = tpu.memref_slice %arg5[%parallel_loop3A_114] : memref<3232xi32, #tpu.memory_space<vmem>> -> memref<3232xi32, #tpu.memory_space<vmem>>
          %parallel_loop3A_116 = tpu.vector_load_idx %parallel_loop3A_115[%parallel_loop3A_113] : memref<3232xi32, #tpu.memory_space<vmem>>[vector<16xi32>], vector<16xi32>,
          %parallel_loop3A_117 = vector.bitcast %parallel_loop3A_116 : vector<16xi32> to vector<32xbf16>
          %parallel_loop3A_118 = arith.constant 16 : i32
          %parallel_loop3A_119 = tpu.memref_slice %arg5[%parallel_loop3A_118] : memref<3232xi32, #tpu.memory_space<vmem>> -> memref<3216xi32, #tpu.memory_space<vmem>>
          %parallel_loop3A_120 = tpu.vector_load_idx %parallel_loop3A_119[%parallel_loop3A_113] : memref<3216xi32, #tpu.memory_space<vmem>>[vector<16xi32>], vector<16xi32>,
          %parallel_loop3A_121 = vector.bitcast %parallel_loop3A_120 : vector<16xi32> to vector<32xbf16>
          %parallel_loop3A_122 = arith.maximumf %parallel_loop3A_107, %parallel_loop3A_117 : vector<32xbf16>
          %parallel_loop3A_123 = arith.maximumf %parallel_loop3A_108, %parallel_loop3A_121 : vector<32xbf16>
          %parallel_loop3A_124 = arith.constant 6 : i32
          %parallel_loop3A_125 = vector.broadcast %parallel_loop3A_124 : i32 to vector<16x1xi32>
          %parallel_loop3A_126 = vector.shape_cast %parallel_loop3A_125 : vector<16x1xi32> to vector<16xi32>
          %parallel_loop3A_127 = tpu.dynamic_gather %parallel_loop3A_35[%parallel_loop3A_126] in [0] : vector<16xi32>, vector<16xi32> -> vector<16xi32>
          %parallel_loop3A_128 = arith.addi %parallel_loop3A_127, %iota3A : vector<16xi32>
          %parallel_loop3A_129 = arith.constant 0 : i32
          %parallel_loop3A_130 = tpu.memref_slice %arg5[%parallel_loop3A_129] : memref<3232xi32, #tpu.memory_space<vmem>> -> memref<3232xi32, #tpu.memory_space<vmem>>
          %parallel_loop3A_131 = tpu.vector_load_idx %parallel_loop3A_130[%parallel_loop3A_128] : memref<3232xi32, #tpu.memory_space<vmem>>[vector<16xi32>], vector<16xi32>,
          %parallel_loop3A_132 = vector.bitcast %parallel_loop3A_131 : vector<16xi32> to vector<32xbf16>
          %parallel_loop3A_133 = arith.constant 16 : i32
          %parallel_loop3A_134 = tpu.memref_slice %arg5[%parallel_loop3A_133] : memref<3232xi32, #tpu.memory_space<vmem>> -> memref<3216xi32, #tpu.memory_space<vmem>>
          %parallel_loop3A_135 = tpu.vector_load_idx %parallel_loop3A_134[%parallel_loop3A_128] : memref<3216xi32, #tpu.memory_space<vmem>>[vector<16xi32>], vector<16xi32>,
          %parallel_loop3A_136 = vector.bitcast %parallel_loop3A_135 : vector<16xi32> to vector<32xbf16>
          %parallel_loop3A_137 = arith.maximumf %parallel_loop3A_122, %parallel_loop3A_132 : vector<32xbf16>
          %parallel_loop3A_138 = arith.maximumf %parallel_loop3A_123, %parallel_loop3A_136 : vector<32xbf16>
          %parallel_loop3A_139 = arith.constant 7 : i32
          %parallel_loop3A_140 = vector.broadcast %parallel_loop3A_139 : i32 to vector<16x1xi32>
          %parallel_loop3A_141 = vector.shape_cast %parallel_loop3A_140 : vector<16x1xi32> to vector<16xi32>
          %parallel_loop3A_142 = tpu.dynamic_gather %parallel_loop3A_35[%parallel_loop3A_141] in [0] : vector<16xi32>, vector<16xi32> -> vector<16xi32>
          %parallel_loop3A_143 = arith.addi %parallel_loop3A_142, %iota3A : vector<16xi32>
          %parallel_loop3A_144 = arith.constant 0 : i32
          %parallel_loop3A_145 = tpu.memref_slice %arg5[%parallel_loop3A_144] : memref<3232xi32, #tpu.memory_space<vmem>> -> memref<3232xi32, #tpu.memory_space<vmem>>
          %parallel_loop3A_146 = tpu.vector_load_idx %parallel_loop3A_145[%parallel_loop3A_143] : memref<3232xi32, #tpu.memory_space<vmem>>[vector<16xi32>], vector<16xi32>,
          %parallel_loop3A_147 = vector.bitcast %parallel_loop3A_146 : vector<16xi32> to vector<32xbf16>
          %parallel_loop3A_148 = arith.constant 16 : i32
          %parallel_loop3A_149 = tpu.memref_slice %arg5[%parallel_loop3A_148] : memref<3232xi32, #tpu.memory_space<vmem>> -> memref<3216xi32, #tpu.memory_space<vmem>>
          %parallel_loop3A_150 = tpu.vector_load_idx %parallel_loop3A_149[%parallel_loop3A_143] : memref<3216xi32, #tpu.memory_space<vmem>>[vector<16xi32>], vector<16xi32>,
          %parallel_loop3A_151 = vector.bitcast %parallel_loop3A_150 : vector<16xi32> to vector<32xbf16>
          %parallel_loop3A_152 = arith.maximumf %parallel_loop3A_137, %parallel_loop3A_147 : vector<32xbf16>
          %parallel_loop3A_153 = arith.maximumf %parallel_loop3A_138, %parallel_loop3A_151 : vector<32xbf16>
          %parallel_loop3A_154 = arith.constant 8 : i32
          %parallel_loop3A_155 = vector.broadcast %parallel_loop3A_154 : i32 to vector<16x1xi32>
          %parallel_loop3A_156 = vector.shape_cast %parallel_loop3A_155 : vector<16x1xi32> to vector<16xi32>
          %parallel_loop3A_157 = tpu.dynamic_gather %parallel_loop3A_35[%parallel_loop3A_156] in [0] : vector<16xi32>, vector<16xi32> -> vector<16xi32>
          %parallel_loop3A_158 = arith.addi %parallel_loop3A_157, %iota3A : vector<16xi32>
          %parallel_loop3A_159 = arith.constant 0 : i32
          %parallel_loop3A_160 = tpu.memref_slice %arg5[%parallel_loop3A_159] : memref<3232xi32, #tpu.memory_space<vmem>> -> memref<3232xi32, #tpu.memory_space<vmem>>
          %parallel_loop3A_161 = tpu.vector_load_idx %parallel_loop3A_160[%parallel_loop3A_158] : memref<3232xi32, #tpu.memory_space<vmem>>[vector<16xi32>], vector<16xi32>,
          %parallel_loop3A_162 = vector.bitcast %parallel_loop3A_161 : vector<16xi32> to vector<32xbf16>
          %parallel_loop3A_163 = arith.constant 16 : i32
          %parallel_loop3A_164 = tpu.memref_slice %arg5[%parallel_loop3A_163] : memref<3232xi32, #tpu.memory_space<vmem>> -> memref<3216xi32, #tpu.memory_space<vmem>>
          %parallel_loop3A_165 = tpu.vector_load_idx %parallel_loop3A_164[%parallel_loop3A_158] : memref<3216xi32, #tpu.memory_space<vmem>>[vector<16xi32>], vector<16xi32>,
          %parallel_loop3A_166 = vector.bitcast %parallel_loop3A_165 : vector<16xi32> to vector<32xbf16>
          %parallel_loop3A_167 = arith.maximumf %parallel_loop3A_152, %parallel_loop3A_162 : vector<32xbf16>
          %parallel_loop3A_168 = arith.maximumf %parallel_loop3A_153, %parallel_loop3A_166 : vector<32xbf16>
          %parallel_loop3A_169 = arith.constant 9 : i32
          %parallel_loop3A_170 = vector.broadcast %parallel_loop3A_169 : i32 to vector<16x1xi32>
          %parallel_loop3A_171 = vector.shape_cast %parallel_loop3A_170 : vector<16x1xi32> to vector<16xi32>
          %parallel_loop3A_172 = tpu.dynamic_gather %parallel_loop3A_35[%parallel_loop3A_171] in [0] : vector<16xi32>, vector<16xi32> -> vector<16xi32>
          %parallel_loop3A_173 = arith.addi %parallel_loop3A_172, %iota3A : vector<16xi32>
          %parallel_loop3A_174 = arith.constant 0 : i32
          %parallel_loop3A_175 = tpu.memref_slice %arg5[%parallel_loop3A_174] : memref<3232xi32, #tpu.memory_space<vmem>> -> memref<3232xi32, #tpu.memory_space<vmem>>
          %parallel_loop3A_176 = tpu.vector_load_idx %parallel_loop3A_175[%parallel_loop3A_173] : memref<3232xi32, #tpu.memory_space<vmem>>[vector<16xi32>], vector<16xi32>,
          %parallel_loop3A_177 = vector.bitcast %parallel_loop3A_176 : vector<16xi32> to vector<32xbf16>
          %parallel_loop3A_178 = arith.constant 16 : i32
          %parallel_loop3A_179 = tpu.memref_slice %arg5[%parallel_loop3A_178] : memref<3232xi32, #tpu.memory_space<vmem>> -> memref<3216xi32, #tpu.memory_space<vmem>>
          %parallel_loop3A_180 = tpu.vector_load_idx %parallel_loop3A_179[%parallel_loop3A_173] : memref<3216xi32, #tpu.memory_space<vmem>>[vector<16xi32>], vector<16xi32>,
          %parallel_loop3A_181 = vector.bitcast %parallel_loop3A_180 : vector<16xi32> to vector<32xbf16>
          %parallel_loop3A_182 = arith.maximumf %parallel_loop3A_167, %parallel_loop3A_177 : vector<32xbf16>
          %parallel_loop3A_183 = arith.maximumf %parallel_loop3A_168, %parallel_loop3A_181 : vector<32xbf16>
          %parallel_loop3A_184 = arith.constant 10 : i32
          %parallel_loop3A_185 = vector.broadcast %parallel_loop3A_184 : i32 to vector<16x1xi32>
          %parallel_loop3A_186 = vector.shape_cast %parallel_loop3A_185 : vector<16x1xi32> to vector<16xi32>
          %parallel_loop3A_187 = tpu.dynamic_gather %parallel_loop3A_35[%parallel_loop3A_186] in [0] : vector<16xi32>, vector<16xi32> -> vector<16xi32>
          %parallel_loop3A_188 = arith.addi %parallel_loop3A_187, %iota3A : vector<16xi32>
          %parallel_loop3A_189 = arith.constant 0 : i32
          %parallel_loop3A_190 = tpu.memref_slice %arg5[%parallel_loop3A_189] : memref<3232xi32, #tpu.memory_space<vmem>> -> memref<3232xi32, #tpu.memory_space<vmem>>
          %parallel_loop3A_191 = tpu.vector_load_idx %parallel_loop3A_190[%parallel_loop3A_188] : memref<3232xi32, #tpu.memory_space<vmem>>[vector<16xi32>], vector<16xi32>,
          %parallel_loop3A_192 = vector.bitcast %parallel_loop3A_191 : vector<16xi32> to vector<32xbf16>
          %parallel_loop3A_193 = arith.constant 16 : i32
          %parallel_loop3A_194 = tpu.memref_slice %arg5[%parallel_loop3A_193] : memref<3232xi32, #tpu.memory_space<vmem>> -> memref<3216xi32, #tpu.memory_space<vmem>>
          %parallel_loop3A_195 = tpu.vector_load_idx %parallel_loop3A_194[%parallel_loop3A_188] : memref<3216xi32, #tpu.memory_space<vmem>>[vector<16xi32>], vector<16xi32>,
          %parallel_loop3A_196 = vector.bitcast %parallel_loop3A_195 : vector<16xi32> to vector<32xbf16>
          %parallel_loop3A_197 = arith.maximumf %parallel_loop3A_182, %parallel_loop3A_192 : vector<32xbf16>
          %parallel_loop3A_198 = arith.maximumf %parallel_loop3A_183, %parallel_loop3A_196 : vector<32xbf16>
          %parallel_loop3A_199 = arith.constant 11 : i32
          %parallel_loop3A_200 = vector.broadcast %parallel_loop3A_199 : i32 to vector<16x1xi32>
          %parallel_loop3A_201 = vector.shape_cast %parallel_loop3A_200 : vector<16x1xi32> to vector<16xi32>
          %parallel_loop3A_202 = tpu.dynamic_gather %parallel_loop3A_35[%parallel_loop3A_201] in [0] : vector<16xi32>, vector<16xi32> -> vector<16xi32>
          %parallel_loop3A_203 = arith.addi %parallel_loop3A_202, %iota3A : vector<16xi32>
          %parallel_loop3A_204 = arith.constant 0 : i32
          %parallel_loop3A_205 = tpu.memref_slice %arg5[%parallel_loop3A_204] : memref<3232xi32, #tpu.memory_space<vmem>> -> memref<3232xi32, #tpu.memory_space<vmem>>
          %parallel_loop3A_206 = tpu.vector_load_idx %parallel_loop3A_205[%parallel_loop3A_203] : memref<3232xi32, #tpu.memory_space<vmem>>[vector<16xi32>], vector<16xi32>,
          %parallel_loop3A_207 = vector.bitcast %parallel_loop3A_206 : vector<16xi32> to vector<32xbf16>
          %parallel_loop3A_208 = arith.constant 16 : i32
          %parallel_loop3A_209 = tpu.memref_slice %arg5[%parallel_loop3A_208] : memref<3232xi32, #tpu.memory_space<vmem>> -> memref<3216xi32, #tpu.memory_space<vmem>>
          %parallel_loop3A_210 = tpu.vector_load_idx %parallel_loop3A_209[%parallel_loop3A_203] : memref<3216xi32, #tpu.memory_space<vmem>>[vector<16xi32>], vector<16xi32>,
          %parallel_loop3A_211 = vector.bitcast %parallel_loop3A_210 : vector<16xi32> to vector<32xbf16>
          %parallel_loop3A_212 = arith.maximumf %parallel_loop3A_197, %parallel_loop3A_207 : vector<32xbf16>
          %parallel_loop3A_213 = arith.maximumf %parallel_loop3A_198, %parallel_loop3A_211 : vector<32xbf16>
          %parallel_loop3A_214 = arith.constant 12 : i32
          %parallel_loop3A_215 = vector.broadcast %parallel_loop3A_214 : i32 to vector<16x1xi32>
          %parallel_loop3A_216 = vector.shape_cast %parallel_loop3A_215 : vector<16x1xi32> to vector<16xi32>
          %parallel_loop3A_217 = tpu.dynamic_gather %parallel_loop3A_35[%parallel_loop3A_216] in [0] : vector<16xi32>, vector<16xi32> -> vector<16xi32>
          %parallel_loop3A_218 = arith.addi %parallel_loop3A_217, %iota3A : vector<16xi32>
          %parallel_loop3A_219 = arith.constant 0 : i32
          %parallel_loop3A_220 = tpu.memref_slice %arg5[%parallel_loop3A_219] : memref<3232xi32, #tpu.memory_space<vmem>> -> memref<3232xi32, #tpu.memory_space<vmem>>
          %parallel_loop3A_221 = tpu.vector_load_idx %parallel_loop3A_220[%parallel_loop3A_218] : memref<3232xi32, #tpu.memory_space<vmem>>[vector<16xi32>], vector<16xi32>,
          %parallel_loop3A_222 = vector.bitcast %parallel_loop3A_221 : vector<16xi32> to vector<32xbf16>
          %parallel_loop3A_223 = arith.constant 16 : i32
          %parallel_loop3A_224 = tpu.memref_slice %arg5[%parallel_loop3A_223] : memref<3232xi32, #tpu.memory_space<vmem>> -> memref<3216xi32, #tpu.memory_space<vmem>>
          %parallel_loop3A_225 = tpu.vector_load_idx %parallel_loop3A_224[%parallel_loop3A_218] : memref<3216xi32, #tpu.memory_space<vmem>>[vector<16xi32>], vector<16xi32>,
          %parallel_loop3A_226 = vector.bitcast %parallel_loop3A_225 : vector<16xi32> to vector<32xbf16>
          %parallel_loop3A_227 = arith.maximumf %parallel_loop3A_212, %parallel_loop3A_222 : vector<32xbf16>
          %parallel_loop3A_228 = arith.maximumf %parallel_loop3A_213, %parallel_loop3A_226 : vector<32xbf16>
          %parallel_loop3A_229 = arith.constant 13 : i32
          %parallel_loop3A_230 = vector.broadcast %parallel_loop3A_229 : i32 to vector<16x1xi32>
          %parallel_loop3A_231 = vector.shape_cast %parallel_loop3A_230 : vector<16x1xi32> to vector<16xi32>
          %parallel_loop3A_232 = tpu.dynamic_gather %parallel_loop3A_35[%parallel_loop3A_231] in [0] : vector<16xi32>, vector<16xi32> -> vector<16xi32>
          %parallel_loop3A_233 = arith.addi %parallel_loop3A_232, %iota3A : vector<16xi32>
          %parallel_loop3A_234 = arith.constant 0 : i32
          %parallel_loop3A_235 = tpu.memref_slice %arg5[%parallel_loop3A_234] : memref<3232xi32, #tpu.memory_space<vmem>> -> memref<3232xi32, #tpu.memory_space<vmem>>
          %parallel_loop3A_236 = tpu.vector_load_idx %parallel_loop3A_235[%parallel_loop3A_233] : memref<3232xi32, #tpu.memory_space<vmem>>[vector<16xi32>], vector<16xi32>,
          %parallel_loop3A_237 = vector.bitcast %parallel_loop3A_236 : vector<16xi32> to vector<32xbf16>
          %parallel_loop3A_238 = arith.constant 16 : i32
          %parallel_loop3A_239 = tpu.memref_slice %arg5[%parallel_loop3A_238] : memref<3232xi32, #tpu.memory_space<vmem>> -> memref<3216xi32, #tpu.memory_space<vmem>>
          %parallel_loop3A_240 = tpu.vector_load_idx %parallel_loop3A_239[%parallel_loop3A_233] : memref<3216xi32, #tpu.memory_space<vmem>>[vector<16xi32>], vector<16xi32>,
          %parallel_loop3A_241 = vector.bitcast %parallel_loop3A_240 : vector<16xi32> to vector<32xbf16>
          %parallel_loop3A_242 = arith.maximumf %parallel_loop3A_227, %parallel_loop3A_237 : vector<32xbf16>
          %parallel_loop3A_243 = arith.maximumf %parallel_loop3A_228, %parallel_loop3A_241 : vector<32xbf16>
          %parallel_loop3A_244 = arith.constant 14 : i32
          %parallel_loop3A_245 = vector.broadcast %parallel_loop3A_244 : i32 to vector<16x1xi32>
          %parallel_loop3A_246 = vector.shape_cast %parallel_loop3A_245 : vector<16x1xi32> to vector<16xi32>
          %parallel_loop3A_247 = tpu.dynamic_gather %parallel_loop3A_35[%parallel_loop3A_246] in [0] : vector<16xi32>, vector<16xi32> -> vector<16xi32>
          %parallel_loop3A_248 = arith.addi %parallel_loop3A_247, %iota3A : vector<16xi32>
          %parallel_loop3A_249 = arith.constant 0 : i32
          %parallel_loop3A_250 = tpu.memref_slice %arg5[%parallel_loop3A_249] : memref<3232xi32, #tpu.memory_space<vmem>> -> memref<3232xi32, #tpu.memory_space<vmem>>
          %parallel_loop3A_251 = tpu.vector_load_idx %parallel_loop3A_250[%parallel_loop3A_248] : memref<3232xi32, #tpu.memory_space<vmem>>[vector<16xi32>], vector<16xi32>,
          %parallel_loop3A_252 = vector.bitcast %parallel_loop3A_251 : vector<16xi32> to vector<32xbf16>
          %parallel_loop3A_253 = arith.constant 16 : i32
          %parallel_loop3A_254 = tpu.memref_slice %arg5[%parallel_loop3A_253] : memref<3232xi32, #tpu.memory_space<vmem>> -> memref<3216xi32, #tpu.memory_space<vmem>>
          %parallel_loop3A_255 = tpu.vector_load_idx %parallel_loop3A_254[%parallel_loop3A_248] : memref<3216xi32, #tpu.memory_space<vmem>>[vector<16xi32>], vector<16xi32>,
          %parallel_loop3A_256 = vector.bitcast %parallel_loop3A_255 : vector<16xi32> to vector<32xbf16>
          %parallel_loop3A_257 = arith.maximumf %parallel_loop3A_242, %parallel_loop3A_252 : vector<32xbf16>
          %parallel_loop3A_258 = arith.maximumf %parallel_loop3A_243, %parallel_loop3A_256 : vector<32xbf16>
          %parallel_loop3A_259 = arith.constant 15 : i32
          %parallel_loop3A_260 = vector.broadcast %parallel_loop3A_259 : i32 to vector<16x1xi32>
          %parallel_loop3A_261 = vector.shape_cast %parallel_loop3A_260 : vector<16x1xi32> to vector<16xi32>
          %parallel_loop3A_262 = tpu.dynamic_gather %parallel_loop3A_35[%parallel_loop3A_261] in [0] : vector<16xi32>, vector<16xi32> -> vector<16xi32>
          %parallel_loop3A_263 = arith.addi %parallel_loop3A_262, %iota3A : vector<16xi32>
          %parallel_loop3A_264 = arith.constant 0 : i32
          %parallel_loop3A_265 = tpu.memref_slice %arg5[%parallel_loop3A_264] : memref<3232xi32, #tpu.memory_space<vmem>> -> memref<3232xi32, #tpu.memory_space<vmem>>
          %parallel_loop3A_266 = tpu.vector_load_idx %parallel_loop3A_265[%parallel_loop3A_263] : memref<3232xi32, #tpu.memory_space<vmem>>[vector<16xi32>], vector<16xi32>,
          %parallel_loop3A_267 = vector.bitcast %parallel_loop3A_266 : vector<16xi32> to vector<32xbf16>
          %parallel_loop3A_268 = arith.constant 16 : i32
          %parallel_loop3A_269 = tpu.memref_slice %arg5[%parallel_loop3A_268] : memref<3232xi32, #tpu.memory_space<vmem>> -> memref<3216xi32, #tpu.memory_space<vmem>>
          %parallel_loop3A_270 = tpu.vector_load_idx %parallel_loop3A_269[%parallel_loop3A_263] : memref<3216xi32, #tpu.memory_space<vmem>>[vector<16xi32>], vector<16xi32>,
          %parallel_loop3A_271 = vector.bitcast %parallel_loop3A_270 : vector<16xi32> to vector<32xbf16>
          %parallel_loop3A_272 = arith.maximumf %parallel_loop3A_257, %parallel_loop3A_267 : vector<32xbf16>
          %parallel_loop3A_273 = arith.maximumf %parallel_loop3A_258, %parallel_loop3A_271 : vector<32xbf16>
          %parallel_loop3A_274 = vector.bitcast %parallel_loop3A_272 : vector<32xbf16> to vector<16xi32>
          %parallel_loop3A_275 = arith.constant 16 : i32
          %parallel_loop3A_276 = vector.broadcast %parallel_loop3A_275 : i32 to vector<16xi32>
          %parallel_loop3A_277 = arith.shli %parallel_loop3A_274, %parallel_loop3A_276 : vector<16xi32>
          %parallel_loop3A_278 = vector.bitcast %parallel_loop3A_277 : vector<16xi32> to vector<16xf32>
          %parallel_loop3A_279 = arith.andi %parallel_loop3A_274, %broadcast_in_dim3A_3 : vector<16xi32>
          %parallel_loop3A_280 = vector.bitcast %parallel_loop3A_279 : vector<16xi32> to vector<16xf32>
          %parallel_loop3A_281 = arith.index_cast %add3A_25 : i32 to index
          %parallel_loop3A_282 = arith.index_cast %parallel_loop3A_28 : i32 to index
          %parallel_loop3A_283 = arith.constant 0 : index
          %parallel_loop3A_284 = tpu.vector_load %arg7[%parallel_loop3A_281, %parallel_loop3A_282, %parallel_loop3A_283] {strides = array<i32>} : memref<5x50x64xf32, #tpu.memory_space<vmem>>, vector<16xf32>,
          tpu.vector_store %arg7[%parallel_loop3A_281, %parallel_loop3A_282, %parallel_loop3A_283], %parallel_loop3A_278 {strides = array<i32>} : memref<5x50x64xf32, #tpu.memory_space<vmem>>, vector<16xf32>,
          %parallel_loop3A_285 = arith.index_cast %add3A_25 : i32 to index
          %parallel_loop3A_286 = arith.index_cast %parallel_loop3A_28 : i32 to index
          %parallel_loop3A_287 = arith.constant 16 : index
          %parallel_loop3A_288 = tpu.vector_load %arg7[%parallel_loop3A_285, %parallel_loop3A_286, %parallel_loop3A_287] {strides = array<i32>} : memref<5x50x64xf32, #tpu.memory_space<vmem>>, vector<16xf32>,
          tpu.vector_store %arg7[%parallel_loop3A_285, %parallel_loop3A_286, %parallel_loop3A_287], %parallel_loop3A_280 {strides = array<i32>} : memref<5x50x64xf32, #tpu.memory_space<vmem>>, vector<16xf32>,
          %parallel_loop3A_289 = vector.bitcast %parallel_loop3A_273 : vector<32xbf16> to vector<16xi32>
          %parallel_loop3A_290 = arith.constant 16 : i32
          %parallel_loop3A_291 = vector.broadcast %parallel_loop3A_290 : i32 to vector<16xi32>
          %parallel_loop3A_292 = arith.shli %parallel_loop3A_289, %parallel_loop3A_291 : vector<16xi32>
          %parallel_loop3A_293 = vector.bitcast %parallel_loop3A_292 : vector<16xi32> to vector<16xf32>
          %parallel_loop3A_294 = arith.andi %parallel_loop3A_289, %broadcast_in_dim3A_3 : vector<16xi32>
          %parallel_loop3A_295 = vector.bitcast %parallel_loop3A_294 : vector<16xi32> to vector<16xf32>
          %parallel_loop3A_296 = arith.index_cast %add3A_25 : i32 to index
          %parallel_loop3A_297 = arith.index_cast %parallel_loop3A_28 : i32 to index
          %parallel_loop3A_298 = arith.constant 32 : index
          %parallel_loop3A_299 = tpu.vector_load %arg7[%parallel_loop3A_296, %parallel_loop3A_297, %parallel_loop3A_298] {strides = array<i32>} : memref<5x50x64xf32, #tpu.memory_space<vmem>>, vector<16xf32>,
          tpu.vector_store %arg7[%parallel_loop3A_296, %parallel_loop3A_297, %parallel_loop3A_298], %parallel_loop3A_293 {strides = array<i32>} : memref<5x50x64xf32, #tpu.memory_space<vmem>>, vector<16xf32>,
          %parallel_loop3A_300 = arith.index_cast %add3A_25 : i32 to index
          %parallel_loop3A_301 = arith.index_cast %parallel_loop3A_28 : i32 to index
          %parallel_loop3A_302 = arith.constant 48 : index
          %parallel_loop3A_303 = tpu.vector_load %arg7[%parallel_loop3A_300, %parallel_loop3A_301, %parallel_loop3A_302] {strides = array<i32>} : memref<5x50x64xf32, #tpu.memory_space<vmem>>, vector<16xf32>,
          tpu.vector_store %arg7[%parallel_loop3A_300, %parallel_loop3A_301, %parallel_loop3A_302], %parallel_loop3A_295 {strides = array<i32>} : memref<5x50x64xf32, #tpu.memory_space<vmem>>, vector<16xf32>,
        } {sc.loop_unroll_factor = 2 : i64, sc.parallel_access}
      }
      %scan3A_20 = arith.constant 5 : i32
      "tpu.region"() ({
        %run_scoped3A = tpu.sem_alloc : memref<!tpu.dma_semaphore, #tpu.memory_space<semaphore_mem>>
        %dma_start3A = arith.constant 0 : i32
        %dma_start3A_21 = arith.constant 0 : i32
        %dma_start3A_22 = tpu.memref_slice %arg4[%add3A_15, %dma_start3A, %dma_start3A_21] : memref<320x50x64xf32, #tpu.memory_space<hbm>> -> memref<5x50x64xf32, #tpu.memory_space<hbm>>
        %dma_start3A_23 = arith.constant 0 : i32
        %dma_start3A_24 = arith.constant 0 : i32
        %dma_start3A_25 = tpu.memref_slice %arg4[%add3A_15, %dma_start3A_23, %dma_start3A_24] : memref<320x50x64xf32, #tpu.memory_space<hbm>> -> memref<5x50x64xf32, #tpu.memory_space<hbm>>
        tpu.enqueue_dma source(%arg7 : memref<5x50x64xf32, #tpu.memory_space<vmem>>) target(%dma_start3A_25 : memref<5x50x64xf32, #tpu.memory_space<hbm>>) target_semaphore(%run_scoped3A : memref<!tpu.dma_semaphore, #tpu.memory_space<semaphore_mem>>)
        %dma_wait3A = arith.constant 0 : i32
        %dma_wait3A_26 = arith.constant 0 : i32
        %dma_wait3A_27 = tpu.memref_slice %arg4[%add3A_15, %dma_wait3A, %dma_wait3A_26] : memref<320x50x64xf32, #tpu.memory_space<hbm>> -> memref<5x50x64xf32, #tpu.memory_space<hbm>>
        %dma_wait3A_28 = arith.constant 0 : i32
        %dma_wait3A_29 = arith.constant 0 : i32
        %dma_wait3A_30 = tpu.memref_slice %arg4[%add3A_15, %dma_wait3A_28, %dma_wait3A_29] : memref<320x50x64xf32, #tpu.memory_space<hbm>> -> memref<5x50x64xf32, #tpu.memory_space<hbm>>
        tpu.wait_dma2 semaphore(%run_scoped3A : memref<!tpu.dma_semaphore, #tpu.memory_space<semaphore_mem>>) src(%arg7 : memref<5x50x64xf32, #tpu.memory_space<vmem>>) dst(%dma_wait3A_30 : memref<5x50x64xf32, #tpu.memory_space<hbm>>)
        tpu.yield
      }) : () -> ()
    }
    %scan3A_7 = arith.constant 2 : i32
    return
  }
}

</mosaic_0001>

<sc_bundles>
// kernel: kernel.4.cloned.1.call-start
scs
__scs_entry_jumppad:
0x0: {  	(pc) =	sbr.rel $0x88, $3  }
0x1: {  	(tag) =	ssettag $0x0;
	lr =	simm.s32 $0x1  }
0x2: {  	[smem:$0x3F9F] =	sst lr;
	_ =	strace $0xD0000000  }
0x3: {  	_ = 	snop  }
0x4: {  	_ = 	snop  }
0x5: {  	_ = 	snop  }
0x6: {  	_ = 	snop  }
0x7: {  	_ = 	snop  }
__scs_overlays_trampoline_lowered:
0x8: {  	[smem:$0x3FAE] =	sst s0  }
0x9: {  	[smem:$0x3FAF] =	sst s1  }
0xa: {  	[smem:$0x3FB0] =	sst s2  }
0xb: {  	[smem:$0x3FB1] =	sst s3  }
0xc: {  	[smem:$0x3FB2] =	sst s4  }
0xd: {  	[smem:$0x3FB3] =	sst s5  }
0xe: {  	[smem:$0x3FB4] =	sst s6  }
0xf: {  	[smem:$0x3FB5] =	sst s7  }
0x10: {  	[smem:$0x3FB6] =	sst s8  }
0x11: {  	[smem:$0x3FB7] =	sst s9;
	s0 =	simm.s32 @!p0 $0x0  }
0x12: {  	s1 =	sld [smem:$0x3F9D];
	s0 =	simm.s32 @p0 $0x1  }
0x13: {  	[smem:$0x3FB8] =	sst s0;
	s0 =	simm.s32 @!p1 $0x0  }
0x14: {  	s2 =	sld [smem:$0x3F9C];
	s0 =	simm.s32 @p1 $0x1  }
0x15: {  	[smem:$0x3FB9] =	sst s0;
	s0 =	simm.s32 @!p2 $0x0  }
0x16: {  	s3 =	sld [smem:$0x3FDB];
	s0 =	simm.s32 @p2 $0x1  }
0x17: {  	s4 =	simm.s32 $0x1BF5;
	[smem:$0x3FBB] =	sst s0  }
0x18: {  	s0 =	sld [smem:$0x3F9E];
	_ =	swait.ge [sflag:s4], $0x0  }
0x19: {  	s7 =	sld [smem:$0x3F9F]  }
0x1a: {  	s8 =	sadd.s32 $0xFFFFE003, lr  }
0x1b: {  	s9 =	sadd.s32 $0xFFFFFEF7, lr;
	s5 =	simm.s32 $0xFFFFFFFF;
	p2 =	slt.u32 s8, $0xFFFFF086  }
0x1c: {  	p1 =	slt.u32 s9, $0xF7A;
	s5 =	simm.s32 @!p2 $0x0  }
0x1d: {  	s5 =	simm.s32 @p1 $0x1;
	p0 =	seq.s32 s7, s2  }
0x1e: {  	s7 =	smul.u32 @!p0 $0xF7A, s2;
	p2 =	seq.s32 @!p0 s5, $0x0  }
0x1f: {  	s9 =	smul.u32 $0xF7A, s1;
	s8 =	simm.s32 @!p0 $0x1BF5;
	p2 =	por !p2, p0  }
0x20: {  	[sflag:s8] =	ssyncset.s32 @!p0 $0xFFFFF086;
	s6 =	sadd.s32 @!p0 s3, s7;
	s7 =	simm.s32 @!p0 $0x108  }
0x21: {  	s3 =	sadd.s32 s3, s9;
	s6 =	sadd.s32 @!p0 $0x88, s6;
	s7 =	simm.s32 @p2 $0x1082  }
0x22: {  	[simem:s7], [sflag:s8] =	dma.local @!p0 [hbm:s6], $0xF7A  }
0x23: {  	s9 =	sor.u32 $0xD0000000, s2;
	s6 =	simm.s32 $0x108;
	_ =	swait.ge @!p0 [sflag:s8], $0x0  }
0x24: {  	s3 =	sadd.s32 $0x88, s3;
	s6 =	simm.s32 @!p1 $0x1082;
	[sflag:s4] =	ssyncset.s32 $0xFFFFF086  }
0x25: {  	[simem:s6], [sflag:s4] =	dma.local [hbm:s3], $0xF7A  }
0x26: {  	[smem:$0x3F9F] =	sst s1;
	(tag) =	ssettag s2;
	_ =	strace s9  }
0x27: {  	s1 =	sld [smem:$0x3FAF]  }
0x28: {  	s2 =	sld [smem:$0x3FB0]  }
0x29: {  	s4 =	sld [smem:$0x3FB2]  }
0x2a: {  	p0 =	seq.s32 s5, $0x0;
	s5 =	sld [smem:$0x3FB3]  }
0x2b: {  	s6 =	sld [smem:$0x3FB4]  }
0x2c: {  	s7 =	sld [smem:$0x3FB5]  }
0x2d: {  	s3 =	simm.s32 $0x108;
	s8 =	sld [smem:$0x3FB6]  }
0x2e: {  	s3 =	simm.s32 @!p0 $0x1082;
	s9 =	sld [smem:$0x3FB7]  }
0x2f: {  	lr =	sadd.s32 s0, s3;
	s0 =	sld [smem:$0x3FAE]  }
0x30: {  	s3 =	sld [smem:$0x3FB1]  }
0x31: {  	[smem:$0x3FBA] =	sst s10  }
0x32: {  	s10 =	sld [smem:$0x3FB8];
	_ =	sdelay $0x3  }
0x33: {  	p0 =	seq.s32 s10, $0x1;
	s10 =	sld [smem:$0x3FBA];
	_ =	sdelay $0x3  }
0x34: {  	[smem:$0x3FBA] =	sst s10  }
0x35: {  	s10 =	sld [smem:$0x3FB9];
	_ =	sdelay $0x3  }
0x36: {  	p1 =	seq.s32 s10, $0x1;
	s10 =	sld [smem:$0x3FBA];
	_ =	sdelay $0x3  }
0x37: {  	[smem:$0x3FBA] =	sst s10  }
0x38: {  	s10 =	sld [smem:$0x3FBB]  }
0x39: {  	_ = 	snop;
	(pc) =	sbr.ind lr, $3  }
0x3a: {  	_ = 	snop  }
0x3b: {  	_ = 	snop  }
0x3c: {  	p2 =	seq.s32 s10, $0x1;
	s10 =	sld [smem:$0x3FBA]  }
0x3d: {  	_ =	shalt  }
0x3e: {  	_ =	shalt  }
0x3f: {  	_ =	shalt  }
0x40: {  	_ =	shalt  }
0x41: {  	_ =	shalt  }
0x42: {  	_ =	shalt  }
0x43: {  	_ =	shalt  }
0x44: {  	_ =	shalt  }
0x45: {  	_ =	shalt  }
0x46: {  	_ =	shalt  }
0x47: {  	_ =	shalt  }
0x48: {  	_ =	shalt  }
0x49: {  	_ =	shalt  }
0x4a: {  	_ =	shalt  }
0x4b: {  	_ =	shalt  }
0x4c: {  	_ =	shalt  }
0x4d: {  	_ =	shalt  }
0x4e: {  	_ =	shalt  }
0x4f: {  	_ =	shalt  }
0x50: {  	_ =	shalt  }
0x51: {  	_ =	shalt  }
0x52: {  	_ =	shalt  }
0x53: {  	_ =	shalt  }
0x54: {  	_ =	shalt  }
0x55: {  	_ =	shalt  }
0x56: {  	_ =	shalt  }
0x57: {  	_ =	shalt  }
0x58: {  	_ =	shalt  }
0x59: {  	_ =	shalt  }
0x5a: {  	_ =	shalt  }
0x5b: {  	_ =	shalt  }
0x5c: {  	_ =	shalt  }
0x5d: {  	_ =	shalt  }
0x5e: {  	_ =	shalt  }
0x5f: {  	_ =	shalt  }
0x60: {  	_ =	shalt  }
0x61: {  	_ =	shalt  }
0x62: {  	_ =	shalt  }
0x63: {  	_ =	shalt  }
0x64: {  	_ =	shalt  }
0x65: {  	_ =	shalt  }
0x66: {  	_ =	shalt  }
0x67: {  	_ =	shalt  }
0x68: {  	_ =	shalt  }
0x69: {  	_ =	shalt  }
0x6a: {  	_ =	shalt  }
0x6b: {  	_ =	shalt  }
0x6c: {  	_ =	shalt  }
0x6d: {  	_ =	shalt  }
0x6e: {  	_ =	shalt  }
0x6f: {  	_ =	shalt  }
0x70: {  	_ =	shalt  }
0x71: {  	_ =	shalt  }
0x72: {  	_ =	shalt  }
0x73: {  	_ =	shalt  }
0x74: {  	_ =	shalt  }
0x75: {  	_ =	shalt  }
0x76: {  	_ =	shalt  }
0x77: {  	_ =	shalt  }
0x78: {  	_ =	shalt  }
0x79: {  	_ =	shalt  }
0x7a: {  	_ =	shalt  }
0x7b: {  	_ =	shalt  }
0x7c: {  	_ =	shalt  }
0x7d: {  	_ =	shalt  }
0x7e: {  	_ =	shalt  }
0x7f: {  	_ =	shalt  }
0x80: {  	_ =	shalt  }
0x81: {  	_ =	shalt  }
0x82: {  	_ =	shalt  }
0x83: {  	_ =	shalt  }
0x84: {  	_ =	shalt  }
0x85: {  	_ =	shalt  }
0x86: {  	_ =	shalt  }
0x87: {  	_ =	shalt  }
.Lfunc_end0:
.L_simem_size_0:
called_computation_lowered:
.L_overlay_start_0:
0x88: {  	s2 =	sld [smem:$0x3FD9]  }
0x89: {  	s3 =	sld [smem:$0x3FFE];
	_ =	sdelay $0x1  }
0x8a: {  	s1 =	srdreg.scid  }
0x8b: {  	s0 =	sand.u32 $0x1, s1  }
0x8c: {  	s17 =	sshll.u32 s0, $0xA;
	s2 =	sadd.s32 s3, s2  }
0x8d: {  	s2 =	sadd.s32 s2, s17  }
0x8e: {  	[smem:$0x3FC6] =	sst s2  }
0x8f: {  	_ = 	snop  }
0x90: {  	(tm) =	ssettm $0x1  }
0x91: {  	s18 =	sld [smem:$0x3FFB];
	_ =	sdelay $0x3  }
0x92: {  	_ =	strace s18  }
0x93: {  	s2 =	sld [smem:$0x3FFC];
	_ =	sdelay $0x3  }
0x94: {  	_ =	strace s2  }
0x95: {  	s2 =	sld [smem:$0x3FFD];
	_ =	sdelay $0x3  }
0x96: {  	_ =	strace s2  }
0x97: {  	_ =	strace $0x8FFFFFFF  }
0x98: {  	s19 =	sld [smem:$0x3FDB];
	_ =	sdelay $0x1  }
0x99: {  	s20 =	simm.s32 $_scs_section_size  }
0x9a: {  	s4 =	simm.s32 $_size__tile_overlayer_lowered;
	s5 =	simm.s32 $_tile_overlayer_lowered  }
0x9b: {  	s6 =	simm.s32 $0x1BFF;
	s21 =	sshll.u32 s5, $0x1;
	s3 =	sadd.s32 s20, s19  }
0x9c: {  	s22 =	simm.s32 $0x0;
	s4 =	sshll.u32 s4, $0x1;
	s5 =	sadd.s32 s21, s3  }
0x9d: {  	[timem:s22], [sflag:s6] =	dma.local [hbm:s5], s4  }
0x9e: {  	_ =	swait.ge [sflag:s6], s4  }
0x9f: {  	s4 =	ssub.s32 $0x0, s4;
	[sflag:s6] =	ssyncset.done $0x0  }
0xa0: {  	[sflag:s6] =	ssyncadd.s32 s4;
	_ =	sdelay $0x1  }
0xa1: {  	s23 =	simm.s32 $0x1B8B  }
0xa2: {  	_ =	swait.ge [sflag:s23], $0x1  }
0xa3: {  	[sflag:s23] =	ssyncset.done $0x0  }
0xa4: {  	[sflag:s23] =	ssyncadd.s32 $0xFFFFFFFF  }
0xa5: {  	s4 =	sld [smem:$0x0]  }
0xa6: {  	s5 =	sand.u32 $0xFFFFFFFE, s1  }
0xa7: {  	p0 =	sne.s32 s1, s5  }
0xa8: {  	s5 =	sshll.u32 @p0 s5, $0xE  }
0xa9: {  	s5 =	sadd.s32 @p0 $0x11B8D, s5;
	s6 =	sshll.u32 @p0 s4, $0x11  }
0xaa: {  	s5 =	sor.u32 @p0 s6, s5  }
0xab: {  	[sflag:s5] =	ssyncadd.remote.s32 @p0 $0x1;
	_ =	sdelay $0x1  }
0xac: {  	s5 =	simm.s32 @p0 $0x1B8D  }
0xad: {  	_ =	swait.eq @p0 [sflag:s5], $0x1  }
0xae: {  	[sflag:s5] =	ssyncadd.s32 @p0 $0xFFFFFFFF  }
0xaf: {  	s6 =	sshll.u32 @!p0 s1, $0xE  }
0xb0: {  	s6 =	sor.u32 @!p0 $0x4000, s6;
	s5 =	simm.s32 @!p0 $0x1B8D  }
0xb1: {  	s4 =	sshll.u32 @!p0 s4, $0x11;
	s6 =	sadd.s32 @!p0 $0x11B8D, s6;
	_ =	swait.eq @!p0 [sflag:s5], $0x1  }
0xb2: {  	s4 =	sor.u32 @!p0 s4, s6;
	[sflag:s5] =	ssyncadd.s32 @!p0 $0xFFFFFFFF  }
0xb3: {  	s25 =	simm.s32 $0x1B8E;
	s24 =	sld [smem:$0x3FFE];
	[sflag:s4] =	ssyncadd.remote.s32 @!p0 $0x1  }
0xb4: {  	s26 =	simm.s32 $execute0_lowered;
	[smem:$0x3FD2] =	sst s25  }
0xb5: {  	s5 =	sshll.u32 s26, $0x1;
	_ =	strace $0x80000049;
	[dreg:$0x1] =	wrdreg $0xFFFFFFFF  }
0xb6: {  	s28 =	simm.s32 $_size_execute0_lowered;
	s3 =	sadd.s32 s3, s5;
	[dreg:$0x0] =	wrdreg $0x0  }
0xb7: {  	s5 =	sshll.u32 s28, $0x1;
	[dreg:$0x2] =	wrdreg s3  }
0xb8: {  	[dreg:$0x3] =	wrdreg s5  }
0xb9: {  	[dreg:$0x4] =	wrdreg $0xC0  }
0xba: {  	_ =	task [dreg:s22], $0x5FFFF  }
0xbb: {  	[dreg:$0x1] =	wrdreg $0xFFFFFFFF  }
0xbc: {  	[dreg:$0x0] =	wrdreg $0x60  }
0xbd: {  	[dreg:$0x2] =	wrdreg s24  }
0xbe: {  	[dreg:$0x3] =	wrdreg $0x9  }
0xbf: {  	_ =	task.clear_ibuf [dreg:s22], $0x4FFFF;
	_ =	strace $0x90000049  }
0xc0: {  	s29 =	simm.s32 $0x9;
	_ =	strace $0x8000004B  }
0xc1: {  	_ =	swait.ge [sflag:s29], $0x1  }
0xc2: {  	[sflag:s29] =	ssyncadd.s32 $0xFFFFFFFF  }
0xc3: {  	_ =	strace $0x9000004B  }
0xc4: {  	_ =	sfence  }
0xc5: {  	s30 =	sld [smem:$0x0];
	_ =	sdelay $0x2  }
0xc6: {  	s31 =	sshll.u32 s1, $0xD;
	s1 =	sshrl.u32 s1, $0x2  }
0xc7: {  	s4 =	sand.u32 $0x4000, s31;
	s1 =	sadd.s32 s1, s30  }
0xc8: {  	s0 =	sor.u32 s4, s0;
	s1 =	sshll.u32 s1, $0x11  }
0xc9: {  	s0 =	sor.u32 s1, s0  }
0xca: {  	s0 =	sadd.s32 $0x8F2B, s0  }
0xcb: {  	[sflag:s0] =	ssyncadd.remote.s32 $0x1  }
0xcc: {  	_ =	sfence.sel $0xFFFF  }
0xcd: {  	[dreg:$0x0] =	wrdreg $0xFFFFFFFF;
	(pc) =	sbr.abs _section_cstart, $3  }
0xce: {  	[dreg:$0x1] =	wrdreg $0xFFFFFFFF  }
0xcf: {  	_ =	task.clear_ibuf [dreg:s22], $0x2FFFF;
	_ =	strace $0x9FFFFFFF  }
0xd0: {  	(tm) =	ssettm $0x7FFFFFFF  }
0xd1: {  	_ =	shalt  }
tec
execute0_lowered:
.L_overlay_start_1:
0x0: {  	(tag) =	ssettag $0x1  }
0x1: {  	s5 =	rddreg [dreg:$0x0]  }
0x2: {  	s0 =	rddreg [dreg:$0x1];
	v59 =	vimm.s32 $0x5;
	v58 =	vimm.s32 $0x0  }
0x3: {  	s2 =	simm.s32 $0x0;
	s3 =	srdreg.scid;
	s1 =	stileid.u32;
	v2 =	vlaneseq.u32;
	v60 =	vimm.s32 $0x1;
	v61 =	vimm.s32 $0x2  }
0x4: {  	v62 =	vimm.s32 $0x3;
	v63 =	vimm.s32 $0x4;
	v0 =	vimm.s32 $0x6;
	s10 =	simm.s32 $0x10;
	s11 =	simm.s32 $0x1C40;
	s12 =	simm.s32 $0x0  }
0x5: {  	v1 =	vimm.s32 $0x7;
	v3 =	vimm.s32 $0x8;
	v4 =	vimm.s32 $0x9;
	[smem:$0x7FF] =	sst s2;
	s6 =	sand.u32 $0x1, s3;
	s3 =	sadd.s32 $0x11E00, s5  }
0x6: {  	v5 =	vimm.s32 $0xA;
	v6 =	vimm.s32 $0xB;
	v7 =	vimm.s32 $0xC;
	s8 =	sshll.u32 s1, $0x1;
	s4 =	sadd.s32 $0x800, s5;
	s7 =	ssub.s32 $0x2, s6  }
0x7: {  	v8 =	vimm.s32 $0xD;
	v9 =	vimm.s32 $0xE;
	v10 =	vimm.s32 $0xF;
	s5 =	sadd.s32 $0x19C00, s5;
	_ =	strace $0x8000004A;
	s9 =	sshrl.u32 s7, $0x1  }
0x8: {  	v15 =	vimm.s32 $0xA;
	v16 =	vimm.s32 $0xB;
	v11 =	vimm.s32 $0xC;
	s6 =	sor.u32 s6, s8;
	s8 =	simm.s32 $0x1;
	s7 =	ssub.s32 s7, s9  }
0x9: {  	v12 =	vimm.s32 $0xD;
	v13 =	vimm.s32 $0xE;
	v14 =	vimm.s32 $0xF;
	s6 =	smul.u32 $0xA, s6;
	s9 =	simm.s32 $0xCA0;
	s7 =	smax.u32 s7, $0x1  }
.LBB2_1:
0xa: {  	[tilespmem:s2], [sflag:$0x1] =	stream.linear.gather [hbm4b:s4+s2], $0xCA0, $0x38;
	[tilespmem:$0x5AC0] =	vst v63  }
0xb: {  	_ =	swait.ge [sflag:s8], $0xCA0  }
0xc: {  	[sflag:s8] =	ssyncset.done $0x0  }
0xd: {  	p1 =	por $0x1, $0x1;
	s13 =	simm.s32 $0x0;
	[sflag:s8] =	ssyncadd.s32 $0xFFFFF360  }
.LBB2_2:
0xe: {  	s13 =	sadd.s32 s6, s13  }
0xf: {  	s14 =	smul.u32 $0x64, s13;
	_ =	sdelay $0x1  }
0x10: {  	s15 =	sadd.s32 s3, s14;
	s14 =	simm.s32 $0x0  }
0x11: {  	[tilespmem:s9], [sflag:$0x1] =	stream.linear.gather [hbm4b:s15+s14], $0xFA0, $0x38;
	[tilespmem:$0x5AC0] =	vst v63  }
0x12: {  	_ =	swait.ge [sflag:s8], $0xFA0  }
0x13: {  	p0 =	por p1, p1;
	[sflag:s8] =	ssyncset.done $0x0  }
0x14: {  	s16 =	simm.s32 $0x1C80;
	s15 =	simm.s32 $0xCB0;
	[sflag:s8] =	ssyncadd.s32 $0xFFFFF060  }
.LBB2_3:
0x15: {  	v17 =	vld [tilespmem:s15+$0x0];
	_ =	sdelay $0x4  }
0x16: {  	v17 =	vshll.u32 v17, $0x5  }
0x17: {  	v18 =	vperm.xlane v17, v10;
	_ =	sdelay $0x1  }
0x18: {  	v19 =	vperm.xlane v17, v9;
	v18 =	vadd.s32 v2, v18;
	_ =	sdelay $0x1  }
0x19: {  	v20 =	vperm.xlane v17, v8;
	v19 =	vadd.s32 v2, v19;
	_ =	sdelay $0x1  }
0x1a: {  	v21 =	vld [tilespmem:s15+$0xFFFFFFF0];
	v22 =	vperm.xlane v17, v7;
	v20 =	vadd.s32 v2, v20  }
0x1b: {  	v23 =	vld.idx.msk [tilespmem:v18+s2+$0x0], $0xffff  }
0x1c: {  	v25 =	vperm.xlane v17, v58;
	v22 =	vadd.s32 v2, v22;
	v26 =	vld.idx.msk [tilespmem:v18+s10+$0x0], $0xffff  }
0x1d: {  	v28 =	vperm.xlane v17, v61;
	v24 =	vld.idx.msk [tilespmem:v19+s2+$0x0], $0xffff  }
0x1e: {  	v30 =	vperm.xlane v17, v63;
	v27 =	vadd.s32 v2, v25;
	v19 =	vld.idx.msk [tilespmem:v19+s10+$0x0], $0xffff  }
0x1f: {  	v33 =	vperm.xlane v17, v0;
	v28 =	vadd.s32 v2, v28;
	v25 =	vld.idx.msk [tilespmem:v20+s2+$0x0], $0xffff  }
0x20: {  	v35 =	vperm.xlane v17, v1;
	v30 =	vadd.s32 v2, v30;
	v31 =	vld.idx.msk [tilespmem:v20+s10+$0x0], $0xffff  }
0x21: {  	v37 =	vperm.xlane v17, v3;
	v33 =	vadd.s32 v2, v33;
	v32 =	vld.idx.msk [tilespmem:v22+s2+$0x0], $0xffff  }
0x22: {  	v39 =	vperm.xlane v17, v4;
	v35 =	vadd.s32 v2, v35;
	v34 =	vld.idx.msk [tilespmem:v22+s10+$0x0], $0xffff  }
0x23: {  	v41 =	vperm.xlane v17, v5;
	v37 =	vadd.s32 v2, v37;
	v22 =	vld.idx.msk [tilespmem:v27+s10+$0x0], $0xffff  }
0x24: {  	v39 =	vadd.s32 v2, v39;
	v38 =	vld.idx.msk [tilespmem:v28+s10+$0x0], $0xffff  }
0x25: {  	v41 =	vadd.s32 v2, v41;
	v42 =	vld.idx.msk [tilespmem:v30+s10+$0x0], $0xffff  }
0x26: {  	v44 =	vld.idx.msk [tilespmem:v33+s10+$0x0], $0xffff  }
0x27: {  	v45 =	vld.idx.msk [tilespmem:v35+s10+$0x0], $0xffff  }
0x28: {  	v46 =	vld.idx.msk [tilespmem:v37+s10+$0x0], $0xffff  }
0x29: {  	v47 =	vld.idx.msk [tilespmem:v39+s10+$0x0], $0xffff  }
0x2a: {  	v48 =	vld.idx.msk [tilespmem:v41+s10+$0x0], $0xffff  }
0x2b: {  	v29 =	vperm.xlane v17, v62;
	v41 =	vld.idx.msk [tilespmem:v41+s2+$0x0], $0xffff  }
0x2c: {  	v18 =	vperm.xlane v17, v60;
	v39 =	vld.idx.msk [tilespmem:v39+s2+$0x0], $0xffff  }
0x2d: {  	v20 =	vadd.s32 v2, v29;
	v29 =	vperm.xlane v17, v59;
	v17 =	vperm.xlane v17, v6;
	v37 =	vld.idx.msk [tilespmem:v37+s2+$0x0], $0xffff  }
0x2e: {  	v35 =	vld.idx.msk [tilespmem:v35+s2+$0x0], $0xffff;
	v18 =	vadd.s32 v2, v18  }
0x2f: {  	v33 =	vld.idx.msk [tilespmem:v33+s2+$0x0], $0xffff;
	v17 =	vadd.s32 v2, v17  }
0x30: {  	v30 =	vld.idx.msk [tilespmem:v30+s2+$0x0], $0xffff  }
0x31: {  	v21 =	vshll.u32 v21, $0x5;
	v28 =	vld.idx.msk [tilespmem:v28+s2+$0x0], $0xffff  }
0x32: {  	v52 =	vperm.xlane v21, v61;
	v27 =	vld.idx.msk [tilespmem:v27+s2+$0x0], $0xffff;
	v29 =	vadd.s32 v2, v29  }
0x33: {  	v36 =	vld.idx.msk [tilespmem:v18+s10+$0x0], $0xffff  }
0x34: {  	v52 =	vadd.s32 v2, v52;
	v49 =	vld.idx.msk [tilespmem:v17+s10+$0x0], $0xffff  }
0x35: {  	v50 =	vld.idx.msk [tilespmem:v17+s2+$0x0], $0xffff;
	v17 =	vperm.xlane v21, v58  }
0x36: {  	v40 =	vld.idx.msk [tilespmem:v20+s10+$0x0], $0xffff  }
0x37: {  	v51 =	vperm.xlane v21, v60;
	v43 =	vld.idx.msk [tilespmem:v29+s10+$0x0], $0xffff;
	v17 =	vadd.s32 v2, v17  }
0x38: {  	v53 =	vperm.xlane v21, v62;
	v54 =	vperm.xlane v21, v63;
	v18 =	vld.idx.msk [tilespmem:v18+s2+$0x0], $0xffff  }
0x39: {  	v55 =	vperm.xlane v21, v59;
	v56 =	vperm.xlane v21, v4;
	v4 =	vld.idx.msk [tilespmem:v52+s2+$0x0], $0xffff;
	v22 =	vmax.bf16 v22, v36  }
0x3a: {  	v57 =	vperm.xlane v21, v0;
	v51 =	vadd.s32 v2, v51;
	v20 =	vld.idx.msk [tilespmem:v20+s2+$0x0], $0xffff;
	v22 =	vmax.bf16 v22, v38  }
0x3b: {  	v56 =	vadd.s32 v2, v56;
	v29 =	vld.idx.msk [tilespmem:v29+s2+$0x0], $0xffff;
	v36 =	vadd.s32 v2, v53;
	v22 =	vmax.bf16 v22, v40  }
0x3c: {  	v6 =	vperm.xlane v21, v6;
	v53 =	vadd.s32 v2, v57;
	v22 =	vmax.bf16 v22, v42;
	v42 =	vld.idx.msk [tilespmem:v17+s2+$0x0], $0xffff  }
0x3d: {  	v57 =	vperm.xlane v21, v7;
	v27 =	vmax.bf16 v27, v18;
	v22 =	vmax.bf16 v22, v43;
	v43 =	vld.idx.msk [tilespmem:v17+s10+$0x0], $0xffff  }
0x3e: {  	v18 =	vadd.s32 v2, v6;
	v17 =	vperm.xlane v21, v5;
	v5 =	vld.idx.msk [tilespmem:v52+s10+$0x0], $0xffff;
	v22 =	vmax.bf16 v22, v44  }
0x3f: {  	v38 =	vadd.s32 v2, v54;
	v54 =	vadd.s32 v2, v55;
	v44 =	vld.idx.msk [tilespmem:v51+s2+$0x0], $0xffff;
	v22 =	vmax.bf16 v22, v45  }
0x40: {  	v55 =	vperm.xlane v21, v3;
	v40 =	vperm.xlane v21, v1;
	v6 =	vld.idx.msk [tilespmem:v36+s2+$0x0], $0xffff;
	v22 =	vmax.bf16 v22, v46  }
0x41: {  	v27 =	vmax.bf16 v27, v28;
	v28 =	vperm.xlane v21, v8;
	v36 =	vld.idx.msk [tilespmem:v36+s10+$0x0], $0xffff;
	v22 =	vmax.bf16 v22, v47  }
0x42: {  	v20 =	vmax.bf16 v27, v20;
	v40 =	vadd.s32 v2, v40;
	v52 =	vld.idx.msk [tilespmem:v53+s10+$0x0], $0xffff;
	v22 =	vmax.bf16 v22, v48  }
0x43: {  	v55 =	vadd.s32 v2, v55;
	v30 =	vmax.bf16 v20, v30;
	v45 =	vld.idx.msk [tilespmem:v51+s10+$0x0], $0xffff;
	v49 =	vmax.bf16 v22, v49  }
0x44: {  	v20 =	vadd.s32 v2, v28;
	v29 =	vmax.bf16 v30, v29;
	v7 =	vld.idx.msk [tilespmem:v38+s2+$0x0], $0xffff;
	v27 =	vmax.bf16 v49, v34  }
0x45: {  	v30 =	vperm.xlane v21, v9;
	v17 =	vadd.s32 v2, v17;
	v28 =	vld.idx.msk [tilespmem:v38+s10+$0x0], $0xffff;
	v27 =	vmax.bf16 v27, v31  }
0x46: {  	v51 =	vld.idx.msk [tilespmem:v53+s2+$0x0], $0xffff;
	v22 =	vadd.s32 v2, v57;
	v19 =	vmax.bf16 v27, v19;
	v27 =	vmax.bf16 v29, v33  }
0x47: {  	v53 =	vld.idx.msk [tilespmem:v40+s2+$0x0], $0xffff;
	v29 =	vperm.xlane v21, v10;
	v26 =	vmax.bf16 v19, v26;
	v19 =	vmax.bf16 v27, v35  }
0x48: {  	v49 =	vld.idx.msk [tilespmem:v54+s10+$0x0], $0xffff;
	v21 =	vadd.s32 v2, v30;
	v27 =	vand.u32 $0xFFFF0000, v26;
	v30 =	vmax.bf16 v19, v37  }
0x49: {  	v31 =	vld.idx.msk [tilespmem:v54+s2+$0x0], $0xffff;
	v19 =	vadd.s32 v2, v29;
	v29 =	vshll.u32 v26, $0x10;
	v26 =	vmax.bf16 v30, v39  }
0x4a: {  	[tilespmem:s16+$0x30] =	vst v27;
	v27 =	vmax.bf16 v42, v44;
	v30 =	vmax.bf16 v43, v45;
	v26 =	vmax.bf16 v26, v41  }
0x4b: {  	v54 =	vmax.bf16 v27, v4;
	v30 =	vmax.bf16 v30, v5;
	v27 =	vld.idx.msk [tilespmem:v40+s10+$0x0], $0xffff;
	v26 =	vmax.bf16 v26, v50  }
0x4c: {  	v39 =	vmax.bf16 v54, v6;
	v36 =	vmax.bf16 v30, v36;
	v30 =	vld.idx.msk [tilespmem:v55+s2+$0x0], $0xffff;
	v32 =	vmax.bf16 v26, v32  }
0x4d: {  	v34 =	vmax.bf16 v39, v7;
	v28 =	vmax.bf16 v36, v28;
	v26 =	vld.idx.msk [tilespmem:v55+s10+$0x0], $0xffff;
	v32 =	vmax.bf16 v32, v25  }
0x4e: {  	v31 =	vmax.bf16 v34, v31;
	v28 =	vmax.bf16 v28, v49;
	v25 =	vld.idx.msk [tilespmem:v56+s2+$0x0], $0xffff;
	v32 =	vmax.bf16 v32, v24  }
0x4f: {  	v57 =	vmax.bf16 v31, v51;
	v31 =	vmax.bf16 v28, v52;
	v24 =	vld.idx.msk [tilespmem:v56+s10+$0x0], $0xffff;
	v28 =	vmax.bf16 v32, v23  }
0x50: {  	s18 =	simm.s32 $0x0;
	s19 =	sadd.s32 $0x20, s15;
	s17 =	smov.u32 s16;
	[tilespmem:s16+$0x20] =	vst v29;
	v32 =	vmax.bf16 v57, v53;
	v23 =	vld.idx.msk [tilespmem:v17+s2+$0x0], $0xffff;
	v29 =	vshll.u32 v28, $0x10;
	v28 =	vand.u32 $0xFFFF0000, v28  }
.LBB2_4:
0x51: {  	v33 =	vld [tilespmem:s19+$0x0]  }
0x52: {  	v27 =	vmax.bf16 v31, v27;
	[tilespmem:s17+$0x0] =	vst v29  }
0x53: {  	v30 =	vmax.bf16 v32, v30;
	v29 =	vld [tilespmem:s19+$0xFFFFFFF0];
	[tilespmem:s17+$0x10] =	vst v28  }
0x54: {  	v26 =	vmax.bf16 v27, v26;
	v38 =	vld.idx.msk [tilespmem:v17+s10+$0x0], $0xffff  }
0x55: {  	v0 =	vimm.s32 $0x6;
	v17 =	vmax.bf16 v30, v25;
	v39 =	vld.idx.msk [tilespmem:v18+s2+$0x0], $0xffff  }
0x56: {  	v1 =	vimm.s32 $0x7;
	v40 =	vmax.bf16 v26, v24;
	v41 =	vld.idx.msk [tilespmem:v18+s10+$0x0], $0xffff;
	v42 =	vshll.u32 v33, $0x5  }
0x57: {  	v3 =	vimm.s32 $0x8;
	v43 =	vmax.bf16 v17, v23;
	v44 =	vld.idx.msk [tilespmem:v22+s2+$0x0], $0xffff;
	v17 =	vperm.xlane v42, v14  }
0x58: {  	v45 =	vshll.u32 v29, $0x5;
	v46 =	vld.idx.msk [tilespmem:v22+s10+$0x0], $0xffff;
	v24 =	vperm.xlane v42, v13;
	v25 =	vperm.xlane v42, v11  }
0x59: {  	v4 =	vimm.s32 $0x9;
	v18 =	vperm.xlane v45, v58;
	v22 =	vperm.xlane v45, v60;
	v47 =	vld.idx.msk [tilespmem:v20+s2+$0x0], $0xffff  }
0x5a: {  	v23 =	vperm.xlane v45, v61;
	v17 =	vadd.s32 v2, v17;
	v48 =	vld.idx.msk [tilespmem:v20+s10+$0x0], $0xffff;
	v20 =	vperm.xlane v42, v12  }
0x5b: {  	s18 =	sadd.s32 $0x2, s18;
	v34 =	vadd.s32 v2, v18;
	v31 =	vadd.s32 v2, v22;
	v18 =	vperm.xlane v45, v62;
	v49 =	vld.idx.msk [tilespmem:v21+s2+$0x0], $0xffff  }
0x5c: {  	p1 =	slt.u32 s18, $0x30;
	v32 =	vadd.s32 v2, v23;
	v22 =	vadd.s32 v2, v24;
	v24 =	vperm.xlane v45, v0;
	v50 =	vld.idx.msk [tilespmem:v21+s10+$0x0], $0xffff  }
0x5d: {  	v21 =	vperm.xlane v45, v59;
	v33 =	vadd.s32 v2, v18;
	v18 =	vperm.xlane v45, v63;
	v51 =	vld.idx.msk [tilespmem:v19+s2+$0x0], $0xffff  }
0x5e: {  	v20 =	vadd.s32 v2, v20;
	v27 =	vadd.s32 v2, v24;
	v52 =	vld.idx.msk [tilespmem:v19+s10+$0x0], $0xffff;
	v19 =	vperm.xlane v42, v58  }
0x5f: {  	v30 =	vadd.s32 v2, v21;
	v35 =	vadd.s32 v2, v18;
	v18 =	vperm.xlane v45, v1;
	v23 =	vld.idx.msk [tilespmem:v17+s2+$0x0], $0xffff  }
0x60: {  	v21 =	vadd.s32 v2, v25;
	v37 =	vld.idx.msk [tilespmem:v17+s10+$0x0], $0xffff;
	v17 =	vperm.xlane v45, v3;
	v53 =	vadd.s32 v2, v19  }
0x61: {  	v19 =	vperm.xlane v42, v61;
	v25 =	vadd.s32 v2, v18;
	v18 =	vperm.xlane v42, v60;
	v24 =	vld.idx.msk [tilespmem:v22+s2+$0x0], $0xffff  }
0x62: {  	v28 =	vperm.xlane v45, v4;
	v54 =	vld.idx.msk [tilespmem:v22+s10+$0x0], $0xffff;
	v26 =	vadd.s32 v2, v17;
	v17 =	vperm.xlane v42, v62  }
0x63: {  	v56 =	vadd.s32 v2, v19;
	v19 =	vperm.xlane v42, v63;
	v55 =	vadd.s32 v2, v18;
	v29 =	vld.idx.msk [tilespmem:v20+s2+$0x0], $0xffff  }
0x64: {  	v28 =	vadd.s32 v2, v28;
	v18 =	vperm.xlane v45, v15;
	v57 =	vld.idx.msk [tilespmem:v20+s10+$0x0], $0xffff;
	v20 =	vperm.xlane v42, v59  }
0x65: {  	v58 =	vadd.s32 v2, v17;
	v59 =	vadd.s32 v2, v19;
	v19 =	vperm.xlane v42, v0;
	v36 =	vld.idx.msk [tilespmem:v21+s2+$0x0], $0xffff  }
0x66: {  	v22 =	vperm.xlane v45, v16;
	v60 =	vld.idx.msk [tilespmem:v21+s10+$0x0], $0xffff;
	v62 =	vadd.s32 v2, v20;
	v20 =	vperm.xlane v42, v1  }
0x67: {  	v17 =	vadd.s32 v2, v18;
	v0 =	vadd.s32 v2, v19;
	v19 =	vperm.xlane v42, v3;
	v61 =	vld.idx.msk [tilespmem:v53+s10+$0x0], $0xffff  }
0x68: {  	v18 =	vadd.s32 v2, v22;
	v21 =	vperm.xlane v45, v11;
	v63 =	vld.idx.msk [tilespmem:v55+s10+$0x0], $0xffff;
	v3 =	vadd.s32 v2, v20  }
0x69: {  	v20 =	vperm.xlane v42, v4;
	v4 =	vperm.xlane v45, v12;
	v6 =	vadd.s32 v2, v19;
	v1 =	vld.idx.msk [tilespmem:v56+s10+$0x0], $0xffff  }
0x6a: {  	v19 =	vperm.xlane v42, v15;
	v22 =	vadd.s32 v2, v21;
	v21 =	vperm.xlane v42, v16;
	v5 =	vld.idx.msk [tilespmem:v58+s10+$0x0], $0xffff  }
0x6b: {  	v8 =	vadd.s32 v2, v20;
	v20 =	vadd.s32 v2, v4;
	v4 =	vperm.xlane v45, v13;
	v7 =	vld.idx.msk [tilespmem:v59+s10+$0x0], $0xffff  }
0x6c: {  	v38 =	vmax.bf16 v40, v38;
	v39 =	vmax.bf16 v43, v39;
	v9 =	vadd.s32 v2, v19;
	v42 =	vld.idx.msk [tilespmem:v62+s10+$0x0], $0xffff  }
0x6d: {  	v19 =	vperm.xlane v45, v14;
	v10 =	vadd.s32 v2, v21;
	v21 =	vadd.s32 v2, v4;
	v45 =	vld.idx.msk [tilespmem:v0+s10+$0x0], $0xffff  }
0x6e: {  	v4 =	vmax.bf16 v61, v63;
	v63 =	vimm.s32 $0x4;
	v61 =	vimm.s32 $0x2;
	v40 =	vld.idx.msk [tilespmem:v3+s10+$0x0], $0xffff  }
0x6f: {  	v38 =	vmax.bf16 v38, v41;
	v19 =	vadd.s32 v2, v19;
	v1 =	vmax.bf16 v4, v1;
	v4 =	vld.idx.msk [tilespmem:v6+s10+$0x0], $0xffff  }
0x70: {  	v39 =	vmax.bf16 v39, v44;
	v38 =	vmax.bf16 v38, v46;
	v1 =	vmax.bf16 v1, v5;
	v5 =	vld.idx.msk [tilespmem:v8+s10+$0x0], $0xffff  }
0x71: {  	v39 =	vmax.bf16 v39, v47;
	v38 =	vmax.bf16 v38, v48;
	v1 =	vmax.bf16 v1, v7;
	v7 =	vld.idx.msk [tilespmem:v9+s10+$0x0], $0xffff  }
0x72: {  	v39 =	vmax.bf16 v39, v49;
	v38 =	vmax.bf16 v38, v50;
	v1 =	vmax.bf16 v1, v42;
	v41 =	vld.idx.msk [tilespmem:v10+s10+$0x0], $0xffff  }
0x73: {  	v39 =	vmax.bf16 v39, v51;
	v38 =	vmax.bf16 v38, v52;
	v1 =	vmax.bf16 v1, v45;
	v10 =	vld.idx.msk [tilespmem:v10+s2+$0x0], $0xffff  }
0x74: {  	v1 =	vmax.bf16 v1, v40;
	v40 =	vshll.u32 v39, $0x10;
	v39 =	vand.u32 $0xFFFF0000, v39;
	v9 =	vld.idx.msk [tilespmem:v9+s2+$0x0], $0xffff  }
0x75: {  	v1 =	vmax.bf16 v1, v4;
	v4 =	vld.idx.msk [tilespmem:v8+s2+$0x0], $0xffff;
	[tilespmem:s17+$0xFFFFFFC0] =	vst v40;
	v8 =	vshll.u32 v38, $0x10;
	v38 =	vand.u32 $0xFFFF0000, v38  }
0x76: {  	v1 =	vmax.bf16 v1, v5;
	v6 =	vld.idx.msk [tilespmem:v6+s2+$0x0], $0xffff;
	[tilespmem:s17+$0xFFFFFFD0] =	vst v39  }
0x77: {  	v1 =	vmax.bf16 v1, v7;
	v3 =	vld.idx.msk [tilespmem:v3+s2+$0x0], $0xffff;
	[tilespmem:s17+$0xFFFFFFE0] =	vst v8  }
0x78: {  	v1 =	vmax.bf16 v1, v41;
	v0 =	vld.idx.msk [tilespmem:v0+s2+$0x0], $0xffff;
	[tilespmem:s17+$0xFFFFFFF0] =	vst v38  }
0x79: {  	v1 =	vmax.bf16 v1, v60;
	v60 =	vimm.s32 $0x1;
	v5 =	vld.idx.msk [tilespmem:v62+s2+$0x0], $0xffff;
	v62 =	vimm.s32 $0x3  }
0x7a: {  	v1 =	vmax.bf16 v1, v57;
	v7 =	vld.idx.msk [tilespmem:v59+s2+$0x0], $0xffff;
	v59 =	vimm.s32 $0x5  }
0x7b: {  	v1 =	vmax.bf16 v1, v54;
	v8 =	vld.idx.msk [tilespmem:v58+s2+$0x0], $0xffff;
	v58 =	vimm.s32 $0x0  }
0x7c: {  	v1 =	vmax.bf16 v1, v37;
	v38 =	vld.idx.msk [tilespmem:v56+s2+$0x0], $0xffff  }
0x7d: {  	s17 =	sadd.s32 $0x80, s17;
	v39 =	vshll.u32 v1, $0x10;
	v1 =	vand.u32 $0xFFFF0000, v1;
	v37 =	vld.idx.msk [tilespmem:v53+s2+$0x0], $0xffff  }
0x7e: {  	v40 =	vld.idx.msk [tilespmem:v55+s2+$0x0], $0xffff;
	[tilespmem:s17+$0x30] =	vst v1  }
0x7f: {  	v1 =	vld.idx.msk [tilespmem:v34+s2+$0x0], $0xffff;
	[tilespmem:s17+$0x20] =	vst v39  }
0x80: {  	v34 =	vld.idx.msk [tilespmem:v34+s10+$0x0], $0xffff  }
0x81: {  	v39 =	vld.idx.msk [tilespmem:v31+s2+$0x0], $0xffff  }
0x82: {  	v31 =	vld.idx.msk [tilespmem:v31+s10+$0x0], $0xffff  }
0x83: {  	v41 =	vld.idx.msk [tilespmem:v32+s2+$0x0], $0xffff  }
0x84: {  	v37 =	vmax.bf16 v37, v40;
	v32 =	vld.idx.msk [tilespmem:v32+s10+$0x0], $0xffff  }
0x85: {  	v37 =	vmax.bf16 v37, v38;
	v40 =	vld.idx.msk [tilespmem:v33+s2+$0x0], $0xffff  }
0x86: {  	v8 =	vmax.bf16 v37, v8;
	v33 =	vld.idx.msk [tilespmem:v33+s10+$0x0], $0xffff  }
0x87: {  	v1 =	vmax.bf16 v1, v39;
	v7 =	vmax.bf16 v8, v7;
	v37 =	vld.idx.msk [tilespmem:v35+s2+$0x0], $0xffff  }
0x88: {  	v8 =	vmax.bf16 v34, v31;
	v5 =	vmax.bf16 v7, v5;
	v31 =	vld.idx.msk [tilespmem:v35+s10+$0x0], $0xffff  }
0x89: {  	v1 =	vmax.bf16 v1, v41;
	v0 =	vmax.bf16 v5, v0;
	v7 =	vld.idx.msk [tilespmem:v30+s2+$0x0], $0xffff  }
0x8a: {  	v5 =	vmax.bf16 v8, v32;
	v0 =	vmax.bf16 v0, v3;
	v8 =	vld.idx.msk [tilespmem:v30+s10+$0x0], $0xffff  }
0x8b: {  	v1 =	vmax.bf16 v1, v40;
	v0 =	vmax.bf16 v0, v6;
	v3 =	vld.idx.msk [tilespmem:v27+s2+$0x0], $0xffff  }
0x8c: {  	v5 =	vmax.bf16 v5, v33;
	v0 =	vmax.bf16 v0, v4;
	v6 =	vld.idx.msk [tilespmem:v27+s10+$0x0], $0xffff  }
0x8d: {  	v1 =	vmax.bf16 v1, v37;
	v0 =	vmax.bf16 v0, v9;
	v4 =	vld.idx.msk [tilespmem:v25+s2+$0x0], $0xffff  }
0x8e: {  	v5 =	vmax.bf16 v5, v31;
	v0 =	vmax.bf16 v0, v10;
	v27 =	vld.idx.msk [tilespmem:v25+s10+$0x0], $0xffff  }
.Ltmp0:
0x8f: {  	v1 =	vmax.bf16 v1, v7;
	v0 =	vmax.bf16 v0, v36;
	v30 =	vld.idx.msk [tilespmem:v26+s2+$0x0], $0xffff;
	(pc) =	sbr.rel @p1 .LBB2_4-.Ltmp0, $4  }
0x90: {  	v5 =	vmax.bf16 v5, v8;
	v0 =	vmax.bf16 v0, v29;
	v26 =	vld.idx.msk [tilespmem:v26+s10+$0x0], $0xffff  }
0x91: {  	v1 =	vmax.bf16 v1, v3;
	v0 =	vmax.bf16 v0, v24;
	v25 =	vld.idx.msk [tilespmem:v28+s2+$0x0], $0xffff  }
0x92: {  	v31 =	vmax.bf16 v5, v6;
	v0 =	vmax.bf16 v0, v23;
	v24 =	vld.idx.msk [tilespmem:v28+s10+$0x0], $0xffff  }
0x93: {  	s19 =	sadd.s32 $0x20, s19;
	v32 =	vmax.bf16 v1, v4;
	v29 =	vshll.u32 v0, $0x10;
	v28 =	vand.u32 $0xFFFF0000, v0;
	v23 =	vld.idx.msk [tilespmem:v17+s2+$0x0], $0xffff  }
0x94: {  	_ =	sdelay $0x3  }
0x95: {  	v0 =	vld.idx.msk [tilespmem:v17+s10+$0x0], $0xffff  }
0x96: {  	v1 =	vld.idx.msk [tilespmem:v18+s2+$0x0], $0xffff  }
0x97: {  	v3 =	vld.idx.msk [tilespmem:v18+s10+$0x0], $0xffff  }
0x98: {  	v4 =	vld.idx.msk [tilespmem:v22+s2+$0x0], $0xffff  }
0x99: {  	v5 =	vld.idx.msk [tilespmem:v22+s10+$0x0], $0xffff  }
0x9a: {  	v6 =	vld.idx.msk [tilespmem:v20+s2+$0x0], $0xffff  }
0x9b: {  	v7 =	vmax.bf16 v32, v30;
	v8 =	vld.idx.msk [tilespmem:v20+s10+$0x0], $0xffff  }
0x9c: {  	v9 =	vmax.bf16 v31, v27;
	v10 =	vld.idx.msk [tilespmem:v21+s2+$0x0], $0xffff;
	v7 =	vmax.bf16 v7, v25  }
0x9d: {  	v17 =	vld.idx.msk [tilespmem:v19+s2+$0x0], $0xffff;
	v9 =	vmax.bf16 v9, v26;
	v7 =	vmax.bf16 v7, v23  }
0x9e: {  	v18 =	vld.idx.msk [tilespmem:v21+s10+$0x0], $0xffff;
	v9 =	vmax.bf16 v9, v24;
	v1 =	vmax.bf16 v7, v1  }
0x9f: {  	v7 =	vld.idx.msk [tilespmem:v19+s10+$0x0], $0xffff;
	v0 =	vmax.bf16 v9, v0;
	v1 =	vmax.bf16 v1, v4  }
0xa0: {  	v0 =	vmax.bf16 v0, v3;
	v1 =	vmax.bf16 v1, v6  }
0xa1: {  	s14 =	sadd.s32 $0x1, s14;
	v0 =	vmax.bf16 v0, v5;
	v1 =	vmax.bf16 v1, v10  }
0xa2: {  	[tilespmem:s17+$0x0] =	vst v29;
	p1 =	sne.s32 s14, $0x5;
	v9 =	vimm.s32 $0xE;
	v0 =	vmax.bf16 v0, v8;
	v1 =	vmax.bf16 v1, v17  }
.Ltmp1:
0xa3: {  	[tilespmem:s17+$0x10] =	vst v28;
	v4 =	vimm.s32 $0x9;
	v0 =	vmax.bf16 v0, v18;
	v3 =	vshll.u32 v1, $0x10;
	(pc) =	sbr.rel @p1 .LBB2_3-.Ltmp1, $4  }
0xa4: {  	v5 =	vimm.s32 $0xA;
	v0 =	vmax.bf16 v0, v7;
	v1 =	vand.u32 $0xFFFF0000, v1;
	[tilespmem:s17+$0xFFFFFFC0] =	vst v3  }
0xa5: {  	v6 =	vimm.s32 $0xB;
	v8 =	vimm.s32 $0xD;
	v3 =	vshll.u32 v0, $0x10;
	[tilespmem:s17+$0xFFFFFFD0] =	vst v1  }
0xa6: {  	v10 =	vimm.s32 $0xF;
	v7 =	vimm.s32 $0xC;
	v0 =	vand.u32 $0xFFFF0000, v0;
	[tilespmem:s17+$0xFFFFFFE0] =	vst v3  }
0xa7: {  	s15 =	sadd.s32 $0x320, s15;
	s16 =	sadd.s32 $0xC80, s16;
	v1 =	vimm.s32 $0x7;
	[tilespmem:s17+$0xFFFFFFF0] =	vst v0;
	v0 =	vimm.s32 $0x6;
	v3 =	vimm.s32 $0x8  }
0xa8: {  	s13 =	smul.u32 $0x190, s13;
	_ =	sdelay $0x1  }
.Ltmp2:
0xa9: {  	s13 =	sadd.s32 s5, s13;
	(pc) =	sbr.rel @p0 .LBB2_2-.Ltmp2, $4  }
0xaa: {  	[hbm4b:s13+s2] =	stream.linear.scatter [tilespmem:s11], [sflag:$0x1], $0x3E80, $0x38;
	[tilespmem:$0x5AC0] =	vst v63  }
0xab: {  	_ =	swait.ge [sflag:s8], $0x3E80  }
0xac: {  	[sflag:s8] =	ssyncset.done $0x0  }
0xad: {  	p1 =	por $0x0, $0x0;
	s13 =	simm.s32 $0x5;
	[sflag:s8] =	ssyncadd.s32 $0xFFFFC180  }
0xae: {  	s12 =	sadd.s32 $0x1, s12  }
0xaf: {  	p0 =	sne.s32 s12, s7  }
.Ltmp3:
0xb0: {  	_ = 	snop;
	(pc) =	sbr.rel @p0 .LBB2_1-.Ltmp3, $1  }
0xb1: {  	_ =	sdelay $0x3  }
0xb2: {  	_ =	sfence.sel $0x180000  }
0xb3: {  	[bflag:$0x0] =	sbarrier.arrive $0xFFFF  }
0xb4: {  	p0 =	sne.s32 s1, $0x0;
	_ =	strace $0x9000004A  }
0xb5: {  	s0 =	sadd.s32 @!p0 $0x100000, s0;
	[bflag:$0x2] =	sbarrier.arrive $0xFFFF  }
0xb6: {  	[sflag:s0] =	ssyncadd.tile.s32 @!p0 $0x1;
	_ =	shalt  }
.Lfunc_end2:
_tile_overlayer_lowered:
.L_overlay_start_2:
0xb7: {  	(tag) =	ssettag $0x2  }
0xb8: {  	s0 =	rddreg [dreg:$0x0];
	s2 =	stileid.u32  }
0xb9: {  	s1 =	rddreg [dreg:$0x1];
	p0 =	sne.s32 s2, $0x0  }
0xba: {  	s3 =	rddreg [dreg:$0x2];
	[bflag:$0x3] =	sbarrier.arrive $0xFFFF;
	s2 =	simm.s32 @!p0 $0x1C01  }
0xbb: {  	[timem:s3], [sflag:s2] =	dma.local @!p0 [hbm:s0], s1  }
0xbc: {  	s0 =	simm.s32 @!p0 $0x1  }
0xbd: {  	_ =	swait.ge @!p0 [sflag:s0], s1  }
0xbe: {  	s1 =	ssub.s32 @!p0 $0x0, s1;
	[sflag:s0] =	ssyncset.done @!p0 $0x0  }
0xbf: {  	[sflag:s0] =	ssyncadd.s32 @!p0 s1  }
0xc0: {  	[bflag:$0x3] =	sbarrier.arrive $0xFFFF  }
0xc1: {  	_ =	shalt  }

// kernel: kernel.7.cloned.1.call-start
scs
__scs_entry_jumppad:
0x0: {  	(pc) =	sbr.rel $0x88, $3  }
0x1: {  	(tag) =	ssettag $0x0;
	lr =	simm.s32 $0x1  }
0x2: {  	[smem:$0x3F9F] =	sst lr;
	_ =	strace $0xD0000000  }
0x3: {  	_ = 	snop  }
0x4: {  	_ = 	snop  }
0x5: {  	_ = 	snop  }
0x6: {  	_ = 	snop  }
0x7: {  	_ = 	snop  }
__scs_overlays_trampoline_lowered:
0x8: {  	[smem:$0x3FAE] =	sst s0  }
0x9: {  	[smem:$0x3FAF] =	sst s1  }
0xa: {  	[smem:$0x3FB0] =	sst s2  }
0xb: {  	[smem:$0x3FB1] =	sst s3  }
0xc: {  	[smem:$0x3FB2] =	sst s4  }
0xd: {  	[smem:$0x3FB3] =	sst s5  }
0xe: {  	[smem:$0x3FB4] =	sst s6  }
0xf: {  	[smem:$0x3FB5] =	sst s7  }
0x10: {  	[smem:$0x3FB6] =	sst s8  }
0x11: {  	[smem:$0x3FB7] =	sst s9;
	s0 =	simm.s32 @!p0 $0x0  }
0x12: {  	s1 =	sld [smem:$0x3F9D];
	s0 =	simm.s32 @p0 $0x1  }
0x13: {  	[smem:$0x3FB8] =	sst s0;
	s0 =	simm.s32 @!p1 $0x0  }
0x14: {  	s2 =	sld [smem:$0x3F9C];
	s0 =	simm.s32 @p1 $0x1  }
0x15: {  	[smem:$0x3FB9] =	sst s0;
	s0 =	simm.s32 @!p2 $0x0  }
0x16: {  	s3 =	sld [smem:$0x3FDB];
	s0 =	simm.s32 @p2 $0x1  }
0x17: {  	s4 =	simm.s32 $0x1BF5;
	[smem:$0x3FBB] =	sst s0  }
0x18: {  	s0 =	sld [smem:$0x3F9E];
	_ =	swait.ge [sflag:s4], $0x0  }
0x19: {  	s7 =	sld [smem:$0x3F9F]  }
0x1a: {  	s8 =	sadd.s32 $0xFFFFE003, lr  }
0x1b: {  	s9 =	sadd.s32 $0xFFFFFEF7, lr;
	s5 =	simm.s32 $0xFFFFFFFF;
	p2 =	slt.u32 s8, $0xFFFFF086  }
0x1c: {  	p1 =	slt.u32 s9, $0xF7A;
	s5 =	simm.s32 @!p2 $0x0  }
0x1d: {  	s5 =	simm.s32 @p1 $0x1;
	p0 =	seq.s32 s7, s2  }
0x1e: {  	s7 =	smul.u32 @!p0 $0xF7A, s2;
	p2 =	seq.s32 @!p0 s5, $0x0  }
0x1f: {  	s9 =	smul.u32 $0xF7A, s1;
	s8 =	simm.s32 @!p0 $0x1BF5;
	p2 =	por !p2, p0  }
0x20: {  	[sflag:s8] =	ssyncset.s32 @!p0 $0xFFFFF086;
	s6 =	sadd.s32 @!p0 s3, s7;
	s7 =	simm.s32 @!p0 $0x108  }
0x21: {  	s3 =	sadd.s32 s3, s9;
	s6 =	sadd.s32 @!p0 $0x88, s6;
	s7 =	simm.s32 @p2 $0x1082  }
0x22: {  	[simem:s7], [sflag:s8] =	dma.local @!p0 [hbm:s6], $0xF7A  }
0x23: {  	s9 =	sor.u32 $0xD0000000, s2;
	s6 =	simm.s32 $0x108;
	_ =	swait.ge @!p0 [sflag:s8], $0x0  }
0x24: {  	s3 =	sadd.s32 $0x88, s3;
	s6 =	simm.s32 @!p1 $0x1082;
	[sflag:s4] =	ssyncset.s32 $0xFFFFF086  }
0x25: {  	[simem:s6], [sflag:s4] =	dma.local [hbm:s3], $0xF7A  }
0x26: {  	[smem:$0x3F9F] =	sst s1;
	(tag) =	ssettag s2;
	_ =	strace s9  }
0x27: {  	s1 =	sld [smem:$0x3FAF]  }
0x28: {  	s2 =	sld [smem:$0x3FB0]  }
0x29: {  	s4 =	sld [smem:$0x3FB2]  }
0x2a: {  	p0 =	seq.s32 s5, $0x0;
	s5 =	sld [smem:$0x3FB3]  }
0x2b: {  	s6 =	sld [smem:$0x3FB4]  }
0x2c: {  	s7 =	sld [smem:$0x3FB5]  }
0x2d: {  	s3 =	simm.s32 $0x108;
	s8 =	sld [smem:$0x3FB6]  }
0x2e: {  	s3 =	simm.s32 @!p0 $0x1082;
	s9 =	sld [smem:$0x3FB7]  }
0x2f: {  	lr =	sadd.s32 s0, s3;
	s0 =	sld [smem:$0x3FAE]  }
0x30: {  	s3 =	sld [smem:$0x3FB1]  }
0x31: {  	[smem:$0x3FBA] =	sst s10  }
0x32: {  	s10 =	sld [smem:$0x3FB8];
	_ =	sdelay $0x3  }
0x33: {  	p0 =	seq.s32 s10, $0x1;
	s10 =	sld [smem:$0x3FBA];
	_ =	sdelay $0x3  }
0x34: {  	[smem:$0x3FBA] =	sst s10  }
0x35: {  	s10 =	sld [smem:$0x3FB9];
	_ =	sdelay $0x3  }
0x36: {  	p1 =	seq.s32 s10, $0x1;
	s10 =	sld [smem:$0x3FBA];
	_ =	sdelay $0x3  }
0x37: {  	[smem:$0x3FBA] =	sst s10  }
0x38: {  	s10 =	sld [smem:$0x3FBB]  }
0x39: {  	_ = 	snop;
	(pc) =	sbr.ind lr, $3  }
0x3a: {  	_ = 	snop  }
0x3b: {  	_ = 	snop  }
0x3c: {  	p2 =	seq.s32 s10, $0x1;
	s10 =	sld [smem:$0x3FBA]  }
0x3d: {  	_ =	shalt  }
0x3e: {  	_ =	shalt  }
0x3f: {  	_ =	shalt  }
0x40: {  	_ =	shalt  }
0x41: {  	_ =	shalt  }
0x42: {  	_ =	shalt  }
0x43: {  	_ =	shalt  }
0x44: {  	_ =	shalt  }
0x45: {  	_ =	shalt  }
0x46: {  	_ =	shalt  }
0x47: {  	_ =	shalt  }
0x48: {  	_ =	shalt  }
0x49: {  	_ =	shalt  }
0x4a: {  	_ =	shalt  }
0x4b: {  	_ =	shalt  }
0x4c: {  	_ =	shalt  }
0x4d: {  	_ =	shalt  }
0x4e: {  	_ =	shalt  }
0x4f: {  	_ =	shalt  }
0x50: {  	_ =	shalt  }
0x51: {  	_ =	shalt  }
0x52: {  	_ =	shalt  }
0x53: {  	_ =	shalt  }
0x54: {  	_ =	shalt  }
0x55: {  	_ =	shalt  }
0x56: {  	_ =	shalt  }
0x57: {  	_ =	shalt  }
0x58: {  	_ =	shalt  }
0x59: {  	_ =	shalt  }
0x5a: {  	_ =	shalt  }
0x5b: {  	_ =	shalt  }
0x5c: {  	_ =	shalt  }
0x5d: {  	_ =	shalt  }
0x5e: {  	_ =	shalt  }
0x5f: {  	_ =	shalt  }
0x60: {  	_ =	shalt  }
0x61: {  	_ =	shalt  }
0x62: {  	_ =	shalt  }
0x63: {  	_ =	shalt  }
0x64: {  	_ =	shalt  }
0x65: {  	_ =	shalt  }
0x66: {  	_ =	shalt  }
0x67: {  	_ =	shalt  }
0x68: {  	_ =	shalt  }
0x69: {  	_ =	shalt  }
0x6a: {  	_ =	shalt  }
0x6b: {  	_ =	shalt  }
0x6c: {  	_ =	shalt  }
0x6d: {  	_ =	shalt  }
0x6e: {  	_ =	shalt  }
0x6f: {  	_ =	shalt  }
0x70: {  	_ =	shalt  }
0x71: {  	_ =	shalt  }
0x72: {  	_ =	shalt  }
0x73: {  	_ =	shalt  }
0x74: {  	_ =	shalt  }
0x75: {  	_ =	shalt  }
0x76: {  	_ =	shalt  }
0x77: {  	_ =	shalt  }
0x78: {  	_ =	shalt  }
0x79: {  	_ =	shalt  }
0x7a: {  	_ =	shalt  }
0x7b: {  	_ =	shalt  }
0x7c: {  	_ =	shalt  }
0x7d: {  	_ =	shalt  }
0x7e: {  	_ =	shalt  }
0x7f: {  	_ =	shalt  }
0x80: {  	_ =	shalt  }
0x81: {  	_ =	shalt  }
0x82: {  	_ =	shalt  }
0x83: {  	_ =	shalt  }
0x84: {  	_ =	shalt  }
0x85: {  	_ =	shalt  }
0x86: {  	_ =	shalt  }
0x87: {  	_ =	shalt  }
.Lfunc_end0:
.L_simem_size_0:
called_computation.1_lowered:
.L_overlay_start_0:
0x88: {  	s2 =	sld [smem:$0x3FD9]  }
0x89: {  	s3 =	sld [smem:$0x3FFE];
	_ =	sdelay $0x1  }
0x8a: {  	s1 =	srdreg.scid  }
0x8b: {  	s0 =	sand.u32 $0x1, s1  }
0x8c: {  	s17 =	sshll.u32 s0, $0xA;
	s2 =	sadd.s32 s3, s2  }
0x8d: {  	s2 =	sadd.s32 s2, s17  }
0x8e: {  	[smem:$0x3FC6] =	sst s2  }
0x8f: {  	_ = 	snop  }
0x90: {  	s2 =	sld [smem:$0x3FD0];
	(tm) =	ssettm $0x1  }
0x91: {  	s18 =	sld [smem:$0x3FFB];
	_ =	sdelay $0x3  }
0x92: {  	_ =	strace s18  }
0x93: {  	s3 =	sld [smem:$0x3FFC];
	_ =	sdelay $0x3  }
0x94: {  	_ =	strace s3  }
0x95: {  	s3 =	sld [smem:$0x3FFD];
	_ =	sdelay $0x3  }
0x96: {  	_ =	strace s3  }
0x97: {  	_ =	strace $0x8FFFFFFF  }
0x98: {  	s19 =	sld [smem:$0x3FDB];
	_ =	sdelay $0x1  }
0x99: {  	s4 =	simm.s32 $_scs_section_size  }
0x9a: {  	s5 =	simm.s32 $_size__tile_overlayer_lowered;
	s6 =	simm.s32 $_tile_overlayer_lowered  }
0x9b: {  	s22 =	simm.s32 $0x1BFF;
	s21 =	sshll.u32 s6, $0x1;
	s3 =	sadd.s32 s4, s19  }
0x9c: {  	s7 =	simm.s32 $0x0;
	s20 =	sshll.u32 s5, $0x1;
	s5 =	sadd.s32 s21, s3  }
0x9d: {  	[timem:s7], [sflag:s22] =	dma.local [hbm:s5], s20  }
0x9e: {  	_ =	swait.ge [sflag:s22], s20  }
0x9f: {  	s4 =	ssub.s32 $0x0, s20;
	[sflag:s22] =	ssyncset.done $0x0  }
0xa0: {  	[sflag:s22] =	ssyncadd.s32 s4;
	_ =	sdelay $0x1  }
0xa1: {  	s23 =	simm.s32 $0x1B8B  }
0xa2: {  	_ =	swait.ge [sflag:s23], $0x1  }
0xa3: {  	[sflag:s23] =	ssyncset.done $0x0  }
0xa4: {  	s25 =	simm.s32 $0x1B8E;
	s24 =	sld [smem:$0x3FFE];
	[sflag:s23] =	ssyncadd.s32 $0xFFFFFFFF  }
0xa5: {  	s26 =	simm.s32 $execute0_lowered;
	[smem:$0x3FD2] =	sst s25  }
0xa6: {  	s5 =	sshll.u32 s26, $0x1;
	_ =	strace $0x80000046;
	[dreg:$0x1] =	wrdreg $0xFFFFFFFF  }
0xa7: {  	s28 =	simm.s32 $_size_execute0_lowered;
	s3 =	sadd.s32 s3, s5;
	[dreg:$0x0] =	wrdreg $0x0  }
0xa8: {  	s5 =	sshll.u32 s28, $0x1;
	[dreg:$0x2] =	wrdreg s3  }
0xa9: {  	[dreg:$0x3] =	wrdreg s5  }
0xaa: {  	[dreg:$0x4] =	wrdreg $0xC0  }
0xab: {  	_ =	task [dreg:s7], $0x5FFFF  }
0xac: {  	[dreg:$0x1] =	wrdreg $0xFFFFFFFF  }
0xad: {  	[dreg:$0x0] =	wrdreg $0x60  }
0xae: {  	[dreg:$0x2] =	wrdreg s24  }
0xaf: {  	[dreg:$0x3] =	wrdreg s2  }
0xb0: {  	[dreg:$0x4] =	wrdreg $0xA  }
0xb1: {  	_ =	task.clear_ibuf [dreg:s7], $0x5FFFF;
	_ =	strace $0x90000046  }
0xb2: {  	s29 =	simm.s32 $0xA;
	_ =	strace $0x80000048  }
0xb3: {  	_ =	swait.ge [sflag:s29], $0x1  }
0xb4: {  	[sflag:s29] =	ssyncadd.s32 $0xFFFFFFFF  }
0xb5: {  	_ =	strace $0x90000048  }
0xb6: {  	_ =	sfence  }
0xb7: {  	s30 =	sld [smem:$0x0];
	_ =	sdelay $0x2  }
0xb8: {  	s31 =	sshll.u32 s1, $0xD;
	s1 =	sshrl.u32 s1, $0x2  }
0xb9: {  	s3 =	sand.u32 $0x4000, s31;
	s1 =	sadd.s32 s1, s30  }
0xba: {  	s0 =	sor.u32 s3, s0;
	s1 =	sshll.u32 s1, $0x11  }
0xbb: {  	s0 =	sor.u32 s1, s0  }
0xbc: {  	s0 =	sadd.s32 $0x8F2B, s0  }
0xbd: {  	[sflag:s0] =	ssyncadd.remote.s32 $0x1  }
0xbe: {  	_ =	sfence.sel $0xFFFF  }
0xbf: {  	[dreg:$0x0] =	wrdreg $0xFFFFFFFF;
	(pc) =	sbr.abs _section_cstart, $3  }
0xc0: {  	[dreg:$0x1] =	wrdreg $0xFFFFFFFF  }
0xc1: {  	_ =	task.clear_ibuf [dreg:s7], $0x2FFFF;
	_ =	strace $0x9FFFFFFF  }
0xc2: {  	(tm) =	ssettm $0x7FFFFFFF  }
0xc3: {  	_ =	shalt  }
tec
execute0_lowered:
.L_overlay_start_1:
0x0: {  	(tag) =	ssettag $0x1  }
0x1: {  	s5 =	rddreg [dreg:$0x0]  }
0x2: {  	s1 =	rddreg [dreg:$0x1];
	v59 =	vimm.s32 $0x5;
	v58 =	vimm.s32 $0x0  }
0x3: {  	s0 =	rddreg [dreg:$0x2];
	s3 =	simm.s32 $0x0;
	s4 =	srdreg.scid;
	v2 =	vlaneseq.u32;
	v60 =	vimm.s32 $0x1;
	v61 =	vimm.s32 $0x2  }
0x4: {  	s2 =	stileid.u32;
	v62 =	vimm.s32 $0x3;
	v63 =	vimm.s32 $0x4;
	v0 =	vimm.s32 $0x6;
	s10 =	simm.s32 $0x10;
	s11 =	simm.s32 $0x12E0  }
0x5: {  	v1 =	vimm.s32 $0x7;
	v3 =	vimm.s32 $0x8;
	v4 =	vimm.s32 $0x9;
	s12 =	simm.s32 $0x0;
	[smem:$0x7FF] =	sst s3;
	s6 =	sand.u32 $0x1, s4  }
0x6: {  	v5 =	vimm.s32 $0xA;
	v6 =	vimm.s32 $0xB;
	v7 =	vimm.s32 $0xC;
	s8 =	sshll.u32 s2, $0x1;
	s4 =	sadd.s32 $0xA00, s5;
	s7 =	ssub.s32 $0x2, s6  }
0x7: {  	v8 =	vimm.s32 $0xD;
	v9 =	vimm.s32 $0xE;
	v10 =	vimm.s32 $0xF;
	s5 =	sadd.s32 $0x800, s5;
	_ =	strace $0x80000047;
	s9 =	sshrl.u32 s7, $0x1  }
0x8: {  	v15 =	vimm.s32 $0xA;
	v16 =	vimm.s32 $0xB;
	v11 =	vimm.s32 $0xC;
	s6 =	sor.u32 s6, s8;
	s8 =	simm.s32 $0x1;
	s7 =	ssub.s32 s7, s9  }
0x9: {  	v12 =	vimm.s32 $0xD;
	v13 =	vimm.s32 $0xE;
	v14 =	vimm.s32 $0xF;
	s6 =	smul.u32 $0x16, s6;
	s9 =	simm.s32 $0xCA0;
	s7 =	smax.u32 s7, $0x1  }
.LBB2_1:
0xa: {  	[tilespmem:s3], [sflag:$0x1] =	stream.linear.gather [hbm4b:s5+s3], $0xCA0, $0x38;
	[tilespmem:$0x2BE0] =	vst v63  }
0xb: {  	_ =	swait.ge [sflag:s8], $0xCA0  }
0xc: {  	[sflag:s8] =	ssyncset.done $0x0  }
0xd: {  	s13 =	simm.s32 $0x0;
	[sflag:s8] =	ssyncadd.s32 $0xFFFFF360  }
.LBB2_2:
0xe: {  	s14 =	sshll.u32 s13, $0x1  }
0xf: {  	s14 =	sadd.s32 s6, s14  }
0x10: {  	s15 =	smul.u32 $0x64, s14;
	_ =	sdelay $0x1  }
0x11: {  	s16 =	sadd.s32 s4, s15;
	s15 =	simm.s32 $0x0  }
0x12: {  	[tilespmem:s9], [sflag:$0x1] =	stream.linear.gather [hbm4b:s16+s15], $0x640, $0x38;
	[tilespmem:$0x2BE0] =	vst v63  }
0x13: {  	_ =	swait.ge [sflag:s8], $0x640  }
0x14: {  	[sflag:s8] =	ssyncset.done $0x0  }
0x15: {  	p1 =	por $0x1, $0x1;
	[sflag:s8] =	ssyncadd.s32 $0xFFFFF9C0  }
.LBB2_3:
0x16: {  	s16 =	sshra.s32 s15, $0x2  }
0x17: {  	s17 =	sadd.s32 $0xCB0, s16  }
0x18: {  	v17 =	vld [tilespmem:s17+$0x0];
	_ =	sdelay $0x4  }
0x19: {  	v17 =	vshll.u32 v17, $0x5  }
0x1a: {  	v18 =	vperm.xlane v17, v10;
	_ =	sdelay $0x1  }
0x1b: {  	v19 =	vperm.xlane v17, v9;
	v18 =	vadd.s32 v2, v18;
	_ =	sdelay $0x1  }
0x1c: {  	v20 =	vperm.xlane v17, v8;
	v19 =	vadd.s32 v2, v19;
	_ =	sdelay $0x1  }
0x1d: {  	v21 =	vld [tilespmem:s17+$0xFFFFFFF0];
	v22 =	vperm.xlane v17, v7;
	v20 =	vadd.s32 v2, v20  }
0x1e: {  	v23 =	vld.idx.msk [tilespmem:v18+s3+$0x0], $0xffff  }
0x1f: {  	v25 =	vperm.xlane v17, v58;
	v22 =	vadd.s32 v2, v22;
	v26 =	vld.idx.msk [tilespmem:v18+s10+$0x0], $0xffff  }
0x20: {  	v28 =	vperm.xlane v17, v61;
	v24 =	vld.idx.msk [tilespmem:v19+s3+$0x0], $0xffff  }
0x21: {  	v30 =	vperm.xlane v17, v63;
	v27 =	vadd.s32 v2, v25;
	v29 =	vld.idx.msk [tilespmem:v19+s10+$0x0], $0xffff  }
0x22: {  	v31 =	vperm.xlane v17, v59;
	v28 =	vadd.s32 v2, v28;
	v25 =	vld.idx.msk [tilespmem:v20+s3+$0x0], $0xffff  }
0x23: {  	v33 =	vperm.xlane v17, v0;
	v30 =	vadd.s32 v2, v30;
	v20 =	vld.idx.msk [tilespmem:v20+s10+$0x0], $0xffff  }
0x24: {  	v35 =	vperm.xlane v17, v1;
	v31 =	vadd.s32 v2, v31;
	v32 =	vld.idx.msk [tilespmem:v22+s3+$0x0], $0xffff  }
0x25: {  	v37 =	vperm.xlane v17, v3;
	v33 =	vadd.s32 v2, v33;
	v22 =	vld.idx.msk [tilespmem:v22+s10+$0x0], $0xffff  }
0x26: {  	v39 =	vperm.xlane v17, v4;
	v35 =	vadd.s32 v2, v35;
	v34 =	vld.idx.msk [tilespmem:v27+s10+$0x0], $0xffff  }
0x27: {  	v41 =	vperm.xlane v17, v5;
	v37 =	vadd.s32 v2, v37;
	v38 =	vld.idx.msk [tilespmem:v28+s10+$0x0], $0xffff  }
0x28: {  	v39 =	vadd.s32 v2, v39;
	v42 =	vld.idx.msk [tilespmem:v30+s10+$0x0], $0xffff  }
0x29: {  	v41 =	vadd.s32 v2, v41;
	v43 =	vld.idx.msk [tilespmem:v31+s10+$0x0], $0xffff  }
0x2a: {  	v44 =	vld.idx.msk [tilespmem:v33+s10+$0x0], $0xffff  }
0x2b: {  	v45 =	vld.idx.msk [tilespmem:v35+s10+$0x0], $0xffff  }
0x2c: {  	v46 =	vld.idx.msk [tilespmem:v37+s10+$0x0], $0xffff  }
0x2d: {  	v47 =	vld.idx.msk [tilespmem:v39+s10+$0x0], $0xffff  }
0x2e: {  	v48 =	vld.idx.msk [tilespmem:v41+s10+$0x0], $0xffff  }
0x2f: {  	v18 =	vperm.xlane v17, v60;
	v41 =	vld.idx.msk [tilespmem:v41+s3+$0x0], $0xffff  }
0x30: {  	v19 =	vperm.xlane v17, v62;
	v17 =	vperm.xlane v17, v6;
	v39 =	vld.idx.msk [tilespmem:v39+s3+$0x0], $0xffff  }
0x31: {  	v37 =	vld.idx.msk [tilespmem:v37+s3+$0x0], $0xffff;
	v18 =	vadd.s32 v2, v18  }
0x32: {  	v35 =	vld.idx.msk [tilespmem:v35+s3+$0x0], $0xffff;
	v17 =	vadd.s32 v2, v17  }
0x33: {  	v33 =	vld.idx.msk [tilespmem:v33+s3+$0x0], $0xffff  }
0x34: {  	v31 =	vld.idx.msk [tilespmem:v31+s3+$0x0], $0xffff;
	v19 =	vadd.s32 v2, v19  }
0x35: {  	v51 =	vshll.u32 v21, $0x5;
	v30 =	vld.idx.msk [tilespmem:v30+s3+$0x0], $0xffff  }
0x36: {  	v52 =	vperm.xlane v51, v61;
	v36 =	vld.idx.msk [tilespmem:v18+s10+$0x0], $0xffff  }
0x37: {  	v49 =	vld.idx.msk [tilespmem:v17+s10+$0x0], $0xffff  }
0x38: {  	v52 =	vadd.s32 v2, v52;
	v50 =	vld.idx.msk [tilespmem:v17+s3+$0x0], $0xffff;
	v17 =	vperm.xlane v51, v58  }
0x39: {  	v40 =	vld.idx.msk [tilespmem:v19+s10+$0x0], $0xffff  }
0x3a: {  	v21 =	vperm.xlane v51, v60;
	v27 =	vld.idx.msk [tilespmem:v27+s3+$0x0], $0xffff;
	v17 =	vadd.s32 v2, v17  }
0x3b: {  	v53 =	vperm.xlane v51, v62;
	v54 =	vperm.xlane v51, v63;
	v18 =	vld.idx.msk [tilespmem:v18+s3+$0x0], $0xffff  }
0x3c: {  	v55 =	vperm.xlane v51, v59;
	v56 =	vperm.xlane v51, v4;
	v28 =	vld.idx.msk [tilespmem:v28+s3+$0x0], $0xffff;
	v34 =	vmax.bf16 v34, v36  }
0x3d: {  	v57 =	vperm.xlane v51, v0;
	v21 =	vadd.s32 v2, v21;
	v4 =	vld.idx.msk [tilespmem:v52+s3+$0x0], $0xffff;
	v34 =	vmax.bf16 v34, v38  }
0x3e: {  	v56 =	vadd.s32 v2, v56;
	v19 =	vld.idx.msk [tilespmem:v19+s3+$0x0], $0xffff;
	v36 =	vadd.s32 v2, v53;
	v34 =	vmax.bf16 v34, v40  }
0x3f: {  	v53 =	vadd.s32 v2, v57;
	v57 =	vperm.xlane v51, v7;
	v34 =	vmax.bf16 v34, v42;
	v42 =	vld.idx.msk [tilespmem:v17+s3+$0x0], $0xffff  }
0x40: {  	v27 =	vmax.bf16 v27, v18;
	v38 =	vadd.s32 v2, v54;
	v34 =	vmax.bf16 v34, v43;
	v43 =	vld.idx.msk [tilespmem:v17+s10+$0x0], $0xffff  }
0x41: {  	v54 =	vadd.s32 v2, v55;
	v17 =	vperm.xlane v51, v5;
	v5 =	vld.idx.msk [tilespmem:v52+s10+$0x0], $0xffff;
	v34 =	vmax.bf16 v34, v44  }
0x42: {  	v55 =	vperm.xlane v51, v3;
	v27 =	vmax.bf16 v27, v28;
	v44 =	vld.idx.msk [tilespmem:v21+s3+$0x0], $0xffff;
	v34 =	vmax.bf16 v34, v45  }
0x43: {  	v28 =	vperm.xlane v51, v8;
	v45 =	vld.idx.msk [tilespmem:v21+s10+$0x0], $0xffff;
	v21 =	vperm.xlane v51, v6;
	v34 =	vmax.bf16 v34, v46  }
0x44: {  	v40 =	vperm.xlane v51, v1;
	v19 =	vmax.bf16 v27, v19;
	v6 =	vld.idx.msk [tilespmem:v36+s3+$0x0], $0xffff;
	v34 =	vmax.bf16 v34, v47  }
0x45: {  	v55 =	vadd.s32 v2, v55;
	v36 =	vld.idx.msk [tilespmem:v36+s10+$0x0], $0xffff;
	v18 =	vadd.s32 v2, v21;
	v21 =	vmax.bf16 v34, v48  }
0x46: {  	v27 =	vmax.bf16 v19, v30;
	v19 =	vadd.s32 v2, v28;
	v7 =	vld.idx.msk [tilespmem:v38+s3+$0x0], $0xffff;
	v48 =	vmax.bf16 v21, v49  }
0x47: {  	v30 =	vperm.xlane v51, v10;
	v40 =	vadd.s32 v2, v40;
	v28 =	vld.idx.msk [tilespmem:v38+s10+$0x0], $0xffff;
	v22 =	vmax.bf16 v48, v22  }
0x48: {  	v17 =	vadd.s32 v2, v17;
	v20 =	vmax.bf16 v22, v20;
	v22 =	vmax.bf16 v27, v31;
	v31 =	vld.idx.msk [tilespmem:v54+s10+$0x0], $0xffff  }
0x49: {  	v27 =	vperm.xlane v51, v9;
	v51 =	vld.idx.msk [tilespmem:v53+s3+$0x0], $0xffff;
	v20 =	vmax.bf16 v20, v29;
	v22 =	vmax.bf16 v22, v33  }
0x4a: {  	s31 =	sshll.u32 s15, $0x2;
	v21 =	vadd.s32 v2, v57;
	v53 =	vld.idx.msk [tilespmem:v53+s10+$0x0], $0xffff;
	v26 =	vmax.bf16 v20, v26;
	v20 =	vmax.bf16 v22, v35  }
0x4b: {  	s15 =	sshra.s32 s31, $0x2;
	v29 =	vld.idx.msk [tilespmem:v54+s3+$0x0], $0xffff;
	v22 =	vadd.s32 v2, v27;
	v27 =	vand.u32 $0xFFFF0000, v26;
	v35 =	vmax.bf16 v20, v37  }
0x4c: {  	s15 =	sadd.s32 $0x1320, s15;
	v54 =	vld.idx.msk [tilespmem:v40+s3+$0x0], $0xffff;
	v20 =	vadd.s32 v2, v30;
	v52 =	vshll.u32 v26, $0x10;
	v26 =	vmax.bf16 v35, v39  }
0x4d: {  	v30 =	vmax.bf16 v43, v45;
	[tilespmem:s15+$0x30] =	vst v27;
	v27 =	vmax.bf16 v42, v44;
	v26 =	vmax.bf16 v26, v41  }
0x4e: {  	v30 =	vmax.bf16 v30, v5;
	v57 =	vmax.bf16 v27, v4;
	v27 =	vld.idx.msk [tilespmem:v40+s10+$0x0], $0xffff;
	v26 =	vmax.bf16 v26, v50  }
0x4f: {  	v36 =	vmax.bf16 v30, v36;
	v30 =	vld.idx.msk [tilespmem:v55+s3+$0x0], $0xffff;
	v34 =	vmax.bf16 v57, v6;
	v32 =	vmax.bf16 v26, v32  }
0x50: {  	v28 =	vmax.bf16 v36, v28;
	v34 =	vmax.bf16 v34, v7;
	v26 =	vld.idx.msk [tilespmem:v55+s10+$0x0], $0xffff;
	v32 =	vmax.bf16 v32, v25  }
0x51: {  	v28 =	vmax.bf16 v28, v31;
	v29 =	vmax.bf16 v34, v29;
	v25 =	vld.idx.msk [tilespmem:v56+s3+$0x0], $0xffff;
	v32 =	vmax.bf16 v32, v24  }
0x52: {  	v31 =	vmax.bf16 v28, v53;
	v29 =	vmax.bf16 v29, v51;
	v24 =	vld.idx.msk [tilespmem:v56+s10+$0x0], $0xffff;
	v28 =	vmax.bf16 v32, v23  }
0x53: {  	p0 =	por p1, p1;
	s16 =	simm.s32 $0x0;
	s17 =	sadd.s32 $0x20, s17;
	[tilespmem:s15+$0x20] =	vst v52;
	v32 =	vmax.bf16 v29, v54;
	v23 =	vld.idx.msk [tilespmem:v17+s3+$0x0], $0xffff;
	v29 =	vshll.u32 v28, $0x10;
	v28 =	vand.u32 $0xFFFF0000, v28  }
.LBB2_4:
0x54: {  	v33 =	vld [tilespmem:s17+$0x0]  }
0x55: {  	v27 =	vmax.bf16 v31, v27;
	[tilespmem:s15+$0x0] =	vst v29  }
0x56: {  	v30 =	vmax.bf16 v32, v30;
	v29 =	vld [tilespmem:s17+$0xFFFFFFF0];
	[tilespmem:s15+$0x10] =	vst v28  }
0x57: {  	v26 =	vmax.bf16 v27, v26;
	v38 =	vld.idx.msk [tilespmem:v17+s10+$0x0], $0xffff  }
0x58: {  	v0 =	vimm.s32 $0x6;
	v17 =	vmax.bf16 v30, v25;
	v39 =	vld.idx.msk [tilespmem:v18+s3+$0x0], $0xffff  }
0x59: {  	v1 =	vimm.s32 $0x7;
	v40 =	vmax.bf16 v26, v24;
	v41 =	vld.idx.msk [tilespmem:v18+s10+$0x0], $0xffff;
	v42 =	vshll.u32 v33, $0x5  }
0x5a: {  	v3 =	vimm.s32 $0x8;
	v43 =	vmax.bf16 v17, v23;
	v44 =	vld.idx.msk [tilespmem:v21+s3+$0x0], $0xffff;
	v17 =	vperm.xlane v42, v14  }
0x5b: {  	v45 =	vshll.u32 v29, $0x5;
	v46 =	vld.idx.msk [tilespmem:v21+s10+$0x0], $0xffff;
	v24 =	vperm.xlane v42, v13;
	v25 =	vperm.xlane v42, v11  }
0x5c: {  	v4 =	vimm.s32 $0x9;
	v18 =	vperm.xlane v45, v58;
	v21 =	vperm.xlane v45, v60;
	v47 =	vld.idx.msk [tilespmem:v19+s3+$0x0], $0xffff  }
0x5d: {  	v23 =	vperm.xlane v45, v61;
	v17 =	vadd.s32 v2, v17;
	v48 =	vld.idx.msk [tilespmem:v19+s10+$0x0], $0xffff;
	v19 =	vperm.xlane v42, v12  }
0x5e: {  	s16 =	sadd.s32 $0x2, s16;
	v34 =	vadd.s32 v2, v18;
	v31 =	vadd.s32 v2, v21;
	v18 =	vperm.xlane v45, v62;
	v49 =	vld.idx.msk [tilespmem:v22+s3+$0x0], $0xffff  }
0x5f: {  	p1 =	slt.u32 s16, $0x30;
	v32 =	vadd.s32 v2, v23;
	v21 =	vadd.s32 v2, v24;
	v24 =	vperm.xlane v45, v0;
	v50 =	vld.idx.msk [tilespmem:v22+s10+$0x0], $0xffff  }
0x60: {  	v22 =	vperm.xlane v45, v59;
	v33 =	vadd.s32 v2, v18;
	v18 =	vperm.xlane v45, v63;
	v51 =	vld.idx.msk [tilespmem:v20+s3+$0x0], $0xffff  }
0x61: {  	v19 =	vadd.s32 v2, v19;
	v27 =	vadd.s32 v2, v24;
	v52 =	vld.idx.msk [tilespmem:v20+s10+$0x0], $0xffff;
	v20 =	vperm.xlane v42, v58  }
0x62: {  	v30 =	vadd.s32 v2, v22;
	v35 =	vadd.s32 v2, v18;
	v18 =	vperm.xlane v45, v1;
	v23 =	vld.idx.msk [tilespmem:v17+s3+$0x0], $0xffff  }
0x63: {  	v22 =	vadd.s32 v2, v25;
	v37 =	vld.idx.msk [tilespmem:v17+s10+$0x0], $0xffff;
	v17 =	vperm.xlane v45, v3;
	v53 =	vadd.s32 v2, v20  }
0x64: {  	v20 =	vperm.xlane v42, v61;
	v25 =	vadd.s32 v2, v18;
	v18 =	vperm.xlane v42, v60;
	v24 =	vld.idx.msk [tilespmem:v21+s3+$0x0], $0xffff  }
0x65: {  	v28 =	vperm.xlane v45, v4;
	v54 =	vld.idx.msk [tilespmem:v21+s10+$0x0], $0xffff;
	v26 =	vadd.s32 v2, v17;
	v17 =	vperm.xlane v42, v62  }
0x66: {  	v56 =	vadd.s32 v2, v20;
	v20 =	vperm.xlane v42, v63;
	v55 =	vadd.s32 v2, v18;
	v29 =	vld.idx.msk [tilespmem:v19+s3+$0x0], $0xffff  }
0x67: {  	v28 =	vadd.s32 v2, v28;
	v18 =	vperm.xlane v45, v15;
	v57 =	vld.idx.msk [tilespmem:v19+s10+$0x0], $0xffff;
	v19 =	vperm.xlane v42, v59  }
0x68: {  	v58 =	vadd.s32 v2, v17;
	v59 =	vadd.s32 v2, v20;
	v20 =	vperm.xlane v42, v0;
	v36 =	vld.idx.msk [tilespmem:v22+s3+$0x0], $0xffff  }
0x69: {  	v21 =	vperm.xlane v45, v16;
	v60 =	vld.idx.msk [tilespmem:v22+s10+$0x0], $0xffff;
	v62 =	vadd.s32 v2, v19;
	v19 =	vperm.xlane v42, v1  }
0x6a: {  	v17 =	vadd.s32 v2, v18;
	v0 =	vadd.s32 v2, v20;
	v20 =	vperm.xlane v42, v3;
	v61 =	vld.idx.msk [tilespmem:v53+s10+$0x0], $0xffff  }
0x6b: {  	v18 =	vadd.s32 v2, v21;
	v22 =	vperm.xlane v45, v11;
	v63 =	vld.idx.msk [tilespmem:v55+s10+$0x0], $0xffff;
	v3 =	vadd.s32 v2, v19  }
0x6c: {  	v19 =	vperm.xlane v42, v4;
	v4 =	vperm.xlane v45, v12;
	v6 =	vadd.s32 v2, v20;
	v1 =	vld.idx.msk [tilespmem:v56+s10+$0x0], $0xffff  }
0x6d: {  	v20 =	vperm.xlane v42, v15;
	v21 =	vadd.s32 v2, v22;
	v22 =	vperm.xlane v42, v16;
	v5 =	vld.idx.msk [tilespmem:v58+s10+$0x0], $0xffff  }
0x6e: {  	v8 =	vadd.s32 v2, v19;
	v19 =	vadd.s32 v2, v4;
	v4 =	vperm.xlane v45, v13;
	v7 =	vld.idx.msk [tilespmem:v59+s10+$0x0], $0xffff  }
0x6f: {  	v38 =	vmax.bf16 v40, v38;
	v39 =	vmax.bf16 v43, v39;
	v9 =	vadd.s32 v2, v20;
	v42 =	vld.idx.msk [tilespmem:v62+s10+$0x0], $0xffff  }
0x70: {  	v20 =	vperm.xlane v45, v14;
	v10 =	vadd.s32 v2, v22;
	v22 =	vadd.s32 v2, v4;
	v45 =	vld.idx.msk [tilespmem:v0+s10+$0x0], $0xffff  }
0x71: {  	v4 =	vmax.bf16 v61, v63;
	v63 =	vimm.s32 $0x4;
	v61 =	vimm.s32 $0x2;
	v40 =	vld.idx.msk [tilespmem:v3+s10+$0x0], $0xffff  }
0x72: {  	v38 =	vmax.bf16 v38, v41;
	v20 =	vadd.s32 v2, v20;
	v1 =	vmax.bf16 v4, v1;
	v4 =	vld.idx.msk [tilespmem:v6+s10+$0x0], $0xffff  }
0x73: {  	v39 =	vmax.bf16 v39, v44;
	v38 =	vmax.bf16 v38, v46;
	v1 =	vmax.bf16 v1, v5;
	v5 =	vld.idx.msk [tilespmem:v8+s10+$0x0], $0xffff  }
0x74: {  	v39 =	vmax.bf16 v39, v47;
	v38 =	vmax.bf16 v38, v48;
	v1 =	vmax.bf16 v1, v7;
	v7 =	vld.idx.msk [tilespmem:v9+s10+$0x0], $0xffff  }
0x75: {  	v39 =	vmax.bf16 v39, v49;
	v38 =	vmax.bf16 v38, v50;
	v1 =	vmax.bf16 v1, v42;
	v41 =	vld.idx.msk [tilespmem:v10+s10+$0x0], $0xffff  }
0x76: {  	v39 =	vmax.bf16 v39, v51;
	v38 =	vmax.bf16 v38, v52;
	v1 =	vmax.bf16 v1, v45;
	v10 =	vld.idx.msk [tilespmem:v10+s3+$0x0], $0xffff  }
0x77: {  	v1 =	vmax.bf16 v1, v40;
	v40 =	vshll.u32 v39, $0x10;
	v39 =	vand.u32 $0xFFFF0000, v39;
	v9 =	vld.idx.msk [tilespmem:v9+s3+$0x0], $0xffff  }
0x78: {  	v1 =	vmax.bf16 v1, v4;
	v4 =	vld.idx.msk [tilespmem:v8+s3+$0x0], $0xffff;
	[tilespmem:s15+$0xFFFFFFC0] =	vst v40;
	v8 =	vshll.u32 v38, $0x10;
	v38 =	vand.u32 $0xFFFF0000, v38  }
0x79: {  	v1 =	vmax.bf16 v1, v5;
	v6 =	vld.idx.msk [tilespmem:v6+s3+$0x0], $0xffff;
	[tilespmem:s15+$0xFFFFFFD0] =	vst v39  }
0x7a: {  	v1 =	vmax.bf16 v1, v7;
	v3 =	vld.idx.msk [tilespmem:v3+s3+$0x0], $0xffff;
	[tilespmem:s15+$0xFFFFFFE0] =	vst v8  }
0x7b: {  	v1 =	vmax.bf16 v1, v41;
	v0 =	vld.idx.msk [tilespmem:v0+s3+$0x0], $0xffff;
	[tilespmem:s15+$0xFFFFFFF0] =	vst v38  }
0x7c: {  	v1 =	vmax.bf16 v1, v60;
	v60 =	vimm.s32 $0x1;
	v5 =	vld.idx.msk [tilespmem:v62+s3+$0x0], $0xffff;
	v62 =	vimm.s32 $0x3  }
0x7d: {  	v1 =	vmax.bf16 v1, v57;
	v7 =	vld.idx.msk [tilespmem:v59+s3+$0x0], $0xffff;
	v59 =	vimm.s32 $0x5  }
0x7e: {  	v1 =	vmax.bf16 v1, v54;
	v8 =	vld.idx.msk [tilespmem:v58+s3+$0x0], $0xffff;
	v58 =	vimm.s32 $0x0  }
0x7f: {  	v1 =	vmax.bf16 v1, v37;
	v38 =	vld.idx.msk [tilespmem:v56+s3+$0x0], $0xffff  }
0x80: {  	s15 =	sadd.s32 $0x80, s15;
	v39 =	vshll.u32 v1, $0x10;
	v1 =	vand.u32 $0xFFFF0000, v1;
	v37 =	vld.idx.msk [tilespmem:v53+s3+$0x0], $0xffff  }
0x81: {  	v40 =	vld.idx.msk [tilespmem:v55+s3+$0x0], $0xffff;
	[tilespmem:s15+$0x30] =	vst v1  }
0x82: {  	v1 =	vld.idx.msk [tilespmem:v34+s3+$0x0], $0xffff;
	[tilespmem:s15+$0x20] =	vst v39  }
0x83: {  	v34 =	vld.idx.msk [tilespmem:v34+s10+$0x0], $0xffff  }
0x84: {  	v39 =	vld.idx.msk [tilespmem:v31+s3+$0x0], $0xffff  }
0x85: {  	v31 =	vld.idx.msk [tilespmem:v31+s10+$0x0], $0xffff  }
0x86: {  	v41 =	vld.idx.msk [tilespmem:v32+s3+$0x0], $0xffff  }
0x87: {  	v37 =	vmax.bf16 v37, v40;
	v32 =	vld.idx.msk [tilespmem:v32+s10+$0x0], $0xffff  }
0x88: {  	v37 =	vmax.bf16 v37, v38;
	v40 =	vld.idx.msk [tilespmem:v33+s3+$0x0], $0xffff  }
0x89: {  	v8 =	vmax.bf16 v37, v8;
	v33 =	vld.idx.msk [tilespmem:v33+s10+$0x0], $0xffff  }
0x8a: {  	v1 =	vmax.bf16 v1, v39;
	v7 =	vmax.bf16 v8, v7;
	v37 =	vld.idx.msk [tilespmem:v35+s3+$0x0], $0xffff  }
0x8b: {  	v8 =	vmax.bf16 v34, v31;
	v5 =	vmax.bf16 v7, v5;
	v31 =	vld.idx.msk [tilespmem:v35+s10+$0x0], $0xffff  }
0x8c: {  	v1 =	vmax.bf16 v1, v41;
	v0 =	vmax.bf16 v5, v0;
	v7 =	vld.idx.msk [tilespmem:v30+s3+$0x0], $0xffff  }
0x8d: {  	v5 =	vmax.bf16 v8, v32;
	v0 =	vmax.bf16 v0, v3;
	v8 =	vld.idx.msk [tilespmem:v30+s10+$0x0], $0xffff  }
0x8e: {  	v1 =	vmax.bf16 v1, v40;
	v0 =	vmax.bf16 v0, v6;
	v3 =	vld.idx.msk [tilespmem:v27+s3+$0x0], $0xffff  }
0x8f: {  	v5 =	vmax.bf16 v5, v33;
	v0 =	vmax.bf16 v0, v4;
	v6 =	vld.idx.msk [tilespmem:v27+s10+$0x0], $0xffff  }
0x90: {  	v1 =	vmax.bf16 v1, v37;
	v0 =	vmax.bf16 v0, v9;
	v4 =	vld.idx.msk [tilespmem:v25+s3+$0x0], $0xffff  }
0x91: {  	v5 =	vmax.bf16 v5, v31;
	v0 =	vmax.bf16 v0, v10;
	v27 =	vld.idx.msk [tilespmem:v25+s10+$0x0], $0xffff  }
.Ltmp0:
0x92: {  	v1 =	vmax.bf16 v1, v7;
	v0 =	vmax.bf16 v0, v36;
	v30 =	vld.idx.msk [tilespmem:v26+s3+$0x0], $0xffff;
	(pc) =	sbr.rel @p1 .LBB2_4-.Ltmp0, $4  }
0x93: {  	v5 =	vmax.bf16 v5, v8;
	v0 =	vmax.bf16 v0, v29;
	v26 =	vld.idx.msk [tilespmem:v26+s10+$0x0], $0xffff  }
0x94: {  	v1 =	vmax.bf16 v1, v3;
	v0 =	vmax.bf16 v0, v24;
	v25 =	vld.idx.msk [tilespmem:v28+s3+$0x0], $0xffff  }
0x95: {  	v31 =	vmax.bf16 v5, v6;
	v0 =	vmax.bf16 v0, v23;
	v24 =	vld.idx.msk [tilespmem:v28+s10+$0x0], $0xffff  }
0x96: {  	s17 =	sadd.s32 $0x20, s17;
	v32 =	vmax.bf16 v1, v4;
	v29 =	vshll.u32 v0, $0x10;
	v28 =	vand.u32 $0xFFFF0000, v0;
	v23 =	vld.idx.msk [tilespmem:v17+s3+$0x0], $0xffff  }
0x97: {  	_ =	sdelay $0x3  }
0x98: {  	v0 =	vld.idx.msk [tilespmem:v17+s10+$0x0], $0xffff  }
0x99: {  	v1 =	vld.idx.msk [tilespmem:v18+s3+$0x0], $0xffff  }
0x9a: {  	v3 =	vld.idx.msk [tilespmem:v18+s10+$0x0], $0xffff  }
0x9b: {  	v4 =	vld.idx.msk [tilespmem:v21+s3+$0x0], $0xffff  }
0x9c: {  	v5 =	vld.idx.msk [tilespmem:v21+s10+$0x0], $0xffff  }
0x9d: {  	v6 =	vld.idx.msk [tilespmem:v19+s3+$0x0], $0xffff  }
0x9e: {  	v7 =	vmax.bf16 v32, v30;
	v8 =	vld.idx.msk [tilespmem:v19+s10+$0x0], $0xffff  }
0x9f: {  	v9 =	vmax.bf16 v31, v27;
	v10 =	vld.idx.msk [tilespmem:v22+s3+$0x0], $0xffff;
	v7 =	vmax.bf16 v7, v25  }
0xa0: {  	v17 =	vld.idx.msk [tilespmem:v20+s3+$0x0], $0xffff;
	v9 =	vmax.bf16 v9, v26;
	v7 =	vmax.bf16 v7, v23  }
0xa1: {  	v18 =	vld.idx.msk [tilespmem:v22+s10+$0x0], $0xffff;
	v9 =	vmax.bf16 v9, v24;
	v1 =	vmax.bf16 v7, v1  }
0xa2: {  	v7 =	vld.idx.msk [tilespmem:v20+s10+$0x0], $0xffff;
	v0 =	vmax.bf16 v9, v0;
	v1 =	vmax.bf16 v1, v4  }
0xa3: {  	v0 =	vmax.bf16 v0, v3;
	v1 =	vmax.bf16 v1, v6  }
0xa4: {  	v0 =	vmax.bf16 v0, v5;
	v1 =	vmax.bf16 v1, v10  }
0xa5: {  	[tilespmem:s15+$0x0] =	vst v29;
	v9 =	vimm.s32 $0xE;
	v0 =	vmax.bf16 v0, v8;
	v1 =	vmax.bf16 v1, v17  }
.Ltmp1:
0xa6: {  	[tilespmem:s15+$0x10] =	vst v28;
	v4 =	vimm.s32 $0x9;
	v0 =	vmax.bf16 v0, v18;
	v3 =	vshll.u32 v1, $0x10;
	(pc) =	sbr.rel @p0 .LBB2_3-.Ltmp1, $4  }
0xa7: {  	v5 =	vimm.s32 $0xA;
	v0 =	vmax.bf16 v0, v7;
	v1 =	vand.u32 $0xFFFF0000, v1;
	[tilespmem:s15+$0xFFFFFFC0] =	vst v3  }
0xa8: {  	v6 =	vimm.s32 $0xB;
	v8 =	vimm.s32 $0xD;
	v3 =	vshll.u32 v0, $0x10;
	[tilespmem:s15+$0xFFFFFFD0] =	vst v1  }
0xa9: {  	v10 =	vimm.s32 $0xF;
	v7 =	vimm.s32 $0xC;
	v0 =	vand.u32 $0xFFFF0000, v0;
	[tilespmem:s15+$0xFFFFFFE0] =	vst v3  }
0xaa: {  	p1 =	por $0x0, $0x0;
	v1 =	vimm.s32 $0x7;
	[tilespmem:s15+$0xFFFFFFF0] =	vst v0;
	s15 =	simm.s32 $0xC80;
	v0 =	vimm.s32 $0x6;
	v3 =	vimm.s32 $0x8  }
0xab: {  	s14 =	smul.u32 $0x190, s14;
	s13 =	sadd.s32 $0x1, s13  }
0xac: {  	p0 =	sne.s32 s13, $0xB  }
.Ltmp2:
0xad: {  	s14 =	sadd.s32 s1, s14;
	(pc) =	sbr.rel @p0 .LBB2_2-.Ltmp2, $4  }
0xae: {  	[hbm4b:s14+s3] =	stream.linear.scatter [tilespmem:s11], [sflag:$0x1], $0x1900, $0x38;
	[tilespmem:$0x2BE0] =	vst v63  }
0xaf: {  	_ =	swait.ge [sflag:s8], $0x1900  }
0xb0: {  	[sflag:s8] =	ssyncset.done $0x0  }
0xb1: {  	[sflag:s8] =	ssyncadd.s32 $0xFFFFE700  }
0xb2: {  	s12 =	sadd.s32 $0x1, s12  }
0xb3: {  	p0 =	sne.s32 s12, s7  }
.Ltmp3:
0xb4: {  	_ = 	snop;
	(pc) =	sbr.rel @p0 .LBB2_1-.Ltmp3, $1  }
0xb5: {  	_ =	sdelay $0x3  }
0xb6: {  	_ =	sfence.sel $0x180000  }
0xb7: {  	[bflag:$0x0] =	sbarrier.arrive $0xFFFF  }
0xb8: {  	p0 =	sne.s32 s2, $0x0;
	_ =	strace $0x90000047  }
0xb9: {  	s0 =	sadd.s32 @!p0 $0x100000, s0;
	[bflag:$0x2] =	sbarrier.arrive $0xFFFF  }
0xba: {  	[sflag:s0] =	ssyncadd.tile.s32 @!p0 $0x1;
	_ =	shalt  }
.Lfunc_end2:
_tile_overlayer_lowered:
.L_overlay_start_2:
0xbb: {  	(tag) =	ssettag $0x2  }
0xbc: {  	s0 =	rddreg [dreg:$0x0];
	s2 =	stileid.u32  }
0xbd: {  	s1 =	rddreg [dreg:$0x1];
	p0 =	sne.s32 s2, $0x0  }
0xbe: {  	s3 =	rddreg [dreg:$0x2];
	[bflag:$0x3] =	sbarrier.arrive $0xFFFF;
	s2 =	simm.s32 @!p0 $0x1C01  }
0xbf: {  	[timem:s3], [sflag:s2] =	dma.local @!p0 [hbm:s0], s1  }
0xc0: {  	s0 =	simm.s32 @!p0 $0x1  }
0xc1: {  	_ =	swait.ge @!p0 [sflag:s0], s1  }
0xc2: {  	s1 =	ssub.s32 @!p0 $0x0, s1;
	[sflag:s0] =	ssyncset.done @!p0 $0x0  }
0xc3: {  	[sflag:s0] =	ssyncadd.s32 @!p0 s1  }
0xc4: {  	[bflag:$0x3] =	sbarrier.arrive $0xFFFF  }
0xc5: {  	_ =	shalt  }

</sc_bundles>
